<compile_context>
chip_gen: v7x
topology: tpu7x:2x2x1
jax: 0.10.2.dev20260603
libtpu: 0.0.44.dev20260713+nightly
codegen_flags: <defaults>
</compile_context>

<pallas_src>
import numpy as np
import jax
import jax.numpy as jnp
from jax import lax
from jax.experimental import pallas as pl

LOG2 = float(np.log(2.0))
CUTOFF = 5.0

B, A, N = 2, 512, 64
CB, NF, NSB = 64, 64, 50
BA = 64
ROWS = BA * N
F32 = jnp.float32
BF = jnp.bfloat16


def _ssp(x):
    return jnp.maximum(x, 0.0) + jnp.log(1.0 + jnp.exp(-jnp.abs(x))) - LOG2


def _ssp_fast(x):
    return jnp.log(0.5 + 0.5 * jnp.exp(x))


_COS_C = [float(c) for c in
          (1.0, -1.0 / 2, 1.0 / 24, -1.0 / 720, 1.0 / 40320,
           -1.0 / 3628800, 1.0 / 479001600, -1.0 / 87178291200)]


def _cos_poly(x):
    u = x * x
    acc = jnp.full_like(x, _COS_C[-1])
    for c in _COS_C[-2::-1]:
        acc = acc * u + c
    return acc


def _selectors(k):
    i0 = lax.broadcasted_iota(jnp.int32, (ROWS, BA), 0) // N
    i1 = lax.broadcasted_iota(jnp.int32, (ROWS, BA), 1)
    tself = (i0 == i1).astype(BF)
    j0 = lax.broadcasted_iota(jnp.int32, (ROWS, k * N), 0) % N
    j1 = lax.broadcasted_iota(jnp.int32, (ROWS, k * N), 1) % N
    ohn = (j0 == j1).astype(F32)
    b0 = lax.broadcasted_iota(jnp.int32, (k * N, k * N), 0) // N
    b1 = lax.broadcasted_iota(jnp.int32, (k * N, k * N), 1) // N
    bd = (b0 == b1).astype(BF)
    return tself, ohn, bd


def _expand(tself, ohn, bd, scalars):
    s = jnp.concatenate(scalars, axis=1).astype(BF)
    x = jnp.dot(tself, s, preferred_element_type=F32)
    sel = (x * ohn).astype(BF)
    out = jnp.dot(sel, bd, preferred_element_type=F32)
    return [out[:, i * N:(i + 1) * N] for i in range(len(scalars))]


def _onehot(nbh_b):
    base = lax.broadcasted_iota(jnp.int32, (ROWS, N), 1).astype(F32) - 256.0
    return jnp.concatenate(
        [(nbh_b == base + (64.0 * k)).astype(BF) for k in range(A // N)],
        axis=1)


def _kernel_a(xi_ref, f_ref, r_ref, mask_ref, c0_ref, c1_ref, c2_ref, nbh_ref,
              wf1_ref, bf1_ref, wf2_ref, bf2_ref, win2f_ref, wf2o_ref, bf2o_ref,
              wa1_ref, ba1_ref, wa2_ref, ba2_ref, wpe1_ref, bpe1_ref, wpe2_ref,
              bpe2_ref, vi_ref, vij_ref, vikt_ref):
    y = jnp.dot(xi_ref[0].astype(BF), win2f_ref[...].astype(BF),
                preferred_element_type=F32).astype(BF)
    for half in range(2):
        _kernel_a_half(half, y, f_ref, r_ref, mask_ref, c0_ref, c1_ref,
                       c2_ref, nbh_ref, wf1_ref, bf1_ref, wf2_ref, bf2_ref,
                       wf2o_ref, bf2o_ref, wa1_ref, ba1_ref, wa2_ref, ba2_ref,
                       wpe1_ref, bpe1_ref, wpe2_ref, bpe2_ref,
                       vi_ref, vij_ref, vikt_ref)


HA = BA // 2
HROWS = HA * N


def _hselectors(k):
    i0 = lax.broadcasted_iota(jnp.int32, (HROWS, HA), 0) // N
    i1 = lax.broadcasted_iota(jnp.int32, (HROWS, HA), 1)
    tself = (i0 == i1).astype(BF)
    j0 = lax.broadcasted_iota(jnp.int32, (HROWS, k * N), 0) % N
    j1 = lax.broadcasted_iota(jnp.int32, (HROWS, k * N), 1) % N
    ohn = (j0 == j1).astype(F32)
    b0 = lax.broadcasted_iota(jnp.int32, (k * N, k * N), 0) // N
    b1 = lax.broadcasted_iota(jnp.int32, (k * N, k * N), 1) // N
    bd = (b0 == b1).astype(BF)
    return tself, ohn, bd


def _hexpand(tself, ohn, bd, scalars):
    s = jnp.concatenate(scalars, axis=1).astype(BF)
    x = jnp.dot(tself, s, preferred_element_type=F32)
    sel = (x * ohn).astype(BF)
    out = jnp.dot(sel, bd, preferred_element_type=F32)
    return [out[:, i * N:(i + 1) * N] for i in range(len(scalars))]


def _honehot(nbh_b):
    base = lax.broadcasted_iota(jnp.int32, (HROWS, N), 1).astype(F32) - 256.0
    return jnp.concatenate(
        [(nbh_b == base + (64.0 * k)).astype(BF) for k in range(A // N)],
        axis=1)


def _kernel_a_half(half, y, f_ref, r_ref, mask_ref, c0_ref, c1_ref, c2_ref,
                   nbh_ref, wf1_ref, bf1_ref, wf2_ref, bf2_ref, wf2o_ref,
                   bf2o_ref, wa1_ref, ba1_ref, wa2_ref, ba2_ref, wpe1_ref,
                   bpe1_ref, wpe2_ref, bpe2_ref, vi_ref, vij_ref, vikt_ref):
    a0 = half * HA
    f = f_ref[0, a0:a0 + HA].reshape(HROWS, NSB)
    h = _ssp_fast(jnp.dot(f.astype(BF), wf1_ref[...].astype(BF),
                     preferred_element_type=F32) + bf1_ref[...])
    wfilt = jnp.dot(h.astype(BF), wf2_ref[...].astype(BF),
                    preferred_element_type=F32) + bf2_ref[...]

    r = r_ref[0, a0:a0 + HA]
    x = jnp.minimum(r * (np.pi / CUTOFF), float(np.pi))
    cc = 0.5 * (_cos_poly(x) + 1.0) * (r < CUTOFF).astype(F32)

    tself, ohn, bd = _hselectors(2)
    nbh_b, cc_b = _hexpand(tself, ohn, bd,
                           (nbh_ref[0, a0:a0 + HA].astype(F32) - 256.0, cc))
    oh = _honehot(nbh_b)

    yg = jnp.dot(oh, y, preferred_element_type=F32)
    yv = yg * wfilt * cc_b
    v = _ssp_fast(jnp.dot(yv.astype(BF), wf2o_ref[...].astype(BF),
                     preferred_element_type=F32) + bf2o_ref[...])

    vb = v.astype(BF)
    z = _ssp_fast(jnp.dot(vb, wpe1_ref[...].astype(BF),
                     preferred_element_type=F32) + bpe1_ref[...])
    w2 = jnp.dot(z.astype(BF), wpe2_ref[...].astype(BF),
                 preferred_element_type=F32) + bpe2_ref[...]
    vij = w2[:, :NF]
    vik = w2[:, NF:]
    vij_ref[0, a0 * N:a0 * N + HROWS] = vij.astype(BF)

    m0 = lax.broadcasted_iota(jnp.int32, (HA, HROWS), 0)
    m1 = lax.broadcasted_iota(jnp.int32, (HA, HROWS), 1) // N
    msel = (m0 == m1).astype(F32)
    mask = mask_ref[0, a0:a0 + HA]
    mm = (msel * jnp.tile(mask, (1, HA))).astype(BF)
    vsum = jnp.dot(mm, vb, preferred_element_type=F32)
    vi = jnp.dot(_ssp(jnp.dot(vsum.astype(BF), wa1_ref[...].astype(BF),
                              preferred_element_type=F32) + ba1_ref[...]).astype(BF),
                 wa2_ref[...].astype(BF), preferred_element_type=F32) + ba2_ref[...]
    vi_ref[0, a0:a0 + HA] = vi

    vikb = vik.astype(BF)
    agg = [jnp.dot((msel * jnp.tile(mask * cref[0, a0:a0 + HA], (1, HA))).astype(BF),
                   vikb, preferred_element_type=F32)
           for cref in (c0_ref, c1_ref, c2_ref)]
    vikt_ref[0, a0:a0 + HA] = jnp.concatenate(agg, axis=1)


def _kernel_b(vij_ref, viktf_ref, viktb_ref, nbh_ref, c0_ref, c1_ref, c2_ref,
              out_ref):
    vij = vij_ref[0].astype(F32)
    tself, ohn, bd = _selectors(4)
    nbh_b, c0_b, c1_b, c2_b = _expand(
        tself, ohn, bd,
        (nbh_ref[0].astype(F32) - 256.0, c0_ref[0], c1_ref[0], c2_ref[0]))
    oh = _onehot(nbh_b)
    vjl = jnp.dot(oh, viktf_ref[0].astype(BF), preferred_element_type=F32)
    own = jnp.dot(tself, viktb_ref[0].astype(BF),
                  preferred_element_type=F32)
    for d, cd_b in enumerate((c0_b, c1_b, c2_b)):
        lo = d * CB
        out_ref[0, d] = vij * cd_b + own[:, lo:lo + CB] + vjl[:, lo:lo + CB]


def _block(*shape):
    def im(b, i):
        return (b,) + (0,) * (len(shape) - 1)
    return pl.BlockSpec(shape, im)


def _ablock(spec_shape, pos=1):
    def im(b, i):
        idx = [0] * len(spec_shape)
        idx[0] = b
        idx[pos] = i
        return tuple(idx)
    return pl.BlockSpec(spec_shape, im)


def kernel(xi, r_ij, cos_ij, neighbors, neighbor_mask, f_ij, Wf1, bf1, Wf2, bf2,
           Win2f, Wf2out, bf2out, Wa1, ba1, Wa2, ba2, Wp1, bp1, Wp2, bp2,
           We1, be1, We2, be2):
    grid = (B, A // BA)
    c0, c1, c2 = cos_ij[..., 0], cos_ij[..., 1], cos_ij[..., 2]
    wpe1 = jnp.concatenate([Wp1.T, We1.T], axis=1)
    bpe1 = jnp.concatenate([bp1, be1])[None]
    z64 = jnp.zeros((NF, CB), F32)
    wpe2 = jnp.concatenate(
        [jnp.concatenate([Wp2.T, z64], axis=1),
         jnp.concatenate([z64, We2.T], axis=1)], axis=0)
    bpe2 = jnp.concatenate([bp2, be2])[None]
    wspecs = [
        _block(NSB, NF), _block(1, NF), _block(NF, NF), _block(1, NF),
        _block(CB, NF), _block(NF, NF), _block(1, NF),
        _block(NF, NF), _block(1, NF), _block(NF, CB), _block(1, CB),
        _block(NF, 2 * NF), _block(1, 2 * NF),
        _block(2 * NF, 2 * NF), _block(1, 2 * NF),
    ]
    wargs = [Wf1.T, bf1[None], Wf2.T, bf2[None], Win2f.T, Wf2out.T, bf2out[None],
             Wa1.T, ba1[None], Wa2.T, ba2[None], wpe1, bpe1, wpe2, bpe2]

    vi, vij, vikt = pl.pallas_call(
        _kernel_a,
        grid=grid,
        in_specs=[
            _block(1, A, CB),
            _ablock((1, BA, N, NSB)),
            _ablock((1, BA, N)),
            _ablock((1, BA, N)),
            _ablock((1, BA, N)),
            _ablock((1, BA, N)),
            _ablock((1, BA, N)),
            _ablock((1, BA, N)),
        ] + wspecs,
        out_specs=[
            _ablock((1, BA, CB)),
            _ablock((1, ROWS, NF)),
            _ablock((1, BA, 3 * CB)),
        ],
        out_shape=[
            jax.ShapeDtypeStruct((B, A, CB), F32),
            jax.ShapeDtypeStruct((B, A * N, NF), BF),
            jax.ShapeDtypeStruct((B, A, 3 * CB), F32),
        ],
    )(xi, f_ij, r_ij, neighbor_mask, c0, c1, c2, neighbors, *wargs)

    (vt,) = pl.pallas_call(
        _kernel_b,
        grid=grid,
        in_specs=[
            _ablock((1, ROWS, NF)),
            _block(1, A, 3 * CB),
            _ablock((1, BA, 3 * CB)),
            _ablock((1, BA, N)),
            _ablock((1, BA, N)),
            _ablock((1, BA, N)),
            _ablock((1, BA, N)),
        ],
        out_specs=[
            _ablock((1, 3, ROWS, CB), 2),
        ],
        out_shape=[
            jax.ShapeDtypeStruct((B, 3, A * N, CB), F32),
        ],
    )(vij, vikt, vikt, neighbors, c0, c1, c2)

    V = jnp.transpose(vt.reshape(B, 3, A, N, CB), (0, 2, 3, 4, 1))
    return vi, V

# --- scband reference (transcript-rebuilt; emitter-appended) ---
"""Pipeline reference for scband-sch-norb-interaction-27547920237285 (READ-ONLY COPY).

The authoritative reference and input builder live on the scoring server;
editing this copy changes nothing except your own understanding.
"""

import jax, jax.numpy as jnp
import numpy as np

LOG2 = float(np.log(2.0))
CUTOFF = 5.0


def ssp(x):
    # schnetpack shifted softplus
    return jax.nn.softplus(x) - LOG2


def dense(x, W, b=None):
    y = jnp.matmul(x, W.T)
    if b is not None:
        y = y + b
    return y


def cosine_cutoff(r):
    return 0.5 * (jnp.cos(r * jnp.pi / CUTOFF) + 1.0) * (r < CUTOFF).astype(r.dtype)


def setup_inputs(seed: int = 0) -> dict:
    key = jax.random.key(seed)
    ks = jax.random.split(key, 20)
    B, A, N = 2, 512, 64
    CB, NF, NSB = 64, 64, 50
    w = lambda k, s: jax.random.normal(k, s, dtype=jnp.float32) * 0.05
    z = lambda n: jnp.zeros((n,), dtype=jnp.float32)
    return {
        "xi": jax.random.normal(ks[0], (B, A, CB), dtype=jnp.float32),
        "r_ij": jax.random.uniform(ks[1], (B, A, N), dtype=jnp.float32) * 4.0 + 0.5,
        "cos_ij": jax.random.normal(ks[2], (B, A, N, 3), dtype=jnp.float32),
        "neighbors": jax.random.randint(ks[3], (B, A, N), 0, A),
        "neighbor_mask": jnp.ones((B, A, N), dtype=jnp.float32),
        "f_ij": jax.random.uniform(ks[4], (B, A, N, NSB), dtype=jnp.float32),
        "Wf1": w(ks[5], (NF, NSB)), "bf1": z(NF),
        "Wf2": w(ks[6], (NF, NF)), "bf2": z(NF),
        "Win2f": w(ks[7], (NF, CB)),
        "Wf2out": w(ks[8], (NF, NF)), "bf2out": z(NF),
        "Wa1": w(ks[9], (NF, NF)), "ba1": z(NF),
        "Wa2": w(ks[10], (CB, NF)), "ba2": z(CB),
        "Wp1": w(ks[11], (NF, NF)), "bp1": z(NF),
        "Wp2": w(ks[12], (CB, NF)), "bp2": z(CB),
        "We1": w(ks[13], (NF, NF)), "be1": z(NF),
        "We2": w(ks[14], (CB, NF)), "be2": z(CB),
    }


def _forward(xi, r_ij, cos_ij, neighbor_mask, f_ij,
             Wf1, bf1, Wf2, bf2, Win2f, Wf2out, bf2out,
             Wa1, ba1, Wa2, ba2, Wp1, bp1, Wp2, bp2,
             We1, be1, We2, be2, neighbors):
    B, A, N = neighbors.shape
    CB = xi.shape[-1]
    D = cos_ij.shape[3]
    gather = jax.vmap(lambda arr, idx: arr[idx])
    nbh_flat = neighbors.reshape(B, A * N)

    # ---- FTLayer ----
    Wfilt = dense(ssp(dense(f_ij, Wf1, bf1)), Wf2, bf2)      # filter network
    Cc = cosine_cutoff(r_ij)                                  # cutoff network
    Wfilt = Wfilt * Cc[..., None]
    y = dense(xi, Win2f)                                      # in2f (no bias)
    y = gather(y, nbh_flat).reshape(B, A, N, -1)              # gather neighbor feats
    y = y * Wfilt
    v = ssp(dense(y, Wf2out, bf2out))                         # f2out with ssp activation

    # ---- atom aggregation ----
    vi = jnp.sum(v * neighbor_mask[..., None], axis=2)        # Aggregate(axis=2, sum)
    vi = dense(ssp(dense(vi, Wa1, ba1)), Wa2, ba2)            # atomnet

    # ---- pair features ----
    vij = dense(ssp(dense(v, Wp1, bp1)), Wp2, bp2)            # pairnet
    Vij = vij[:, :, :, :, None] * cos_ij[:, :, :, None, :]

    # ---- environment features ----
    vik = dense(ssp(dense(v, We1, be1)), We2, be2)            # envnet
    vik = vik[:, :, :, :, None] * cos_ij[:, :, :, None, :]
    Vik = jnp.sum(vik * neighbor_mask[:, :, :, None, None], axis=2)  # pairagg

    # gather env features of the neighbor atoms (torch.gather along dim 1)
    Vjl = gather(Vik, nbh_flat).reshape(B, A, N, CB, D)
    Vijkl = Vik[:, :, None] + Vjl
    V = Vij + Vijkl
    return vi, V


def reference(xi, r_ij, cos_ij, neighbors, neighbor_mask, f_ij,
              Wf1, bf1, Wf2, bf2, Win2f, Wf2out, bf2out,
              Wa1, ba1, Wa2, ba2, Wp1, bp1, Wp2, bp2,
              We1, be1, We2, be2):
    return _forward(xi, r_ij, cos_ij, neighbor_mask, f_ij,
                    Wf1, bf1, Wf2, bf2, Win2f,
                    Wf2out, bf2out, Wa1, ba1, Wa2, ba2,
                    Wp1, bp1, Wp2, bp2,
                    We1, be1, We2, be2, neighbors)

if __name__ == "__main__":
    import jax
    _d = setup_inputs()
    print(jax.jit(kernel)(*tuple(_d.values())))

</pallas_src>

<mosaic_0001>
module attributes {stable_mosaic.version = 14 : i64} {
  func.func @_kernel_b(%arg0: i32, %arg1: i32, %arg2: memref<1x4096x64xbf16, #tpu.memory_space<vmem>>, %arg3: memref<1x512x192xf32, #tpu.memory_space<vmem>>, %arg4: memref<1x64x192xf32, #tpu.memory_space<vmem>>, %arg5: memref<1x64x64xi32, #tpu.memory_space<vmem>>, %arg6: memref<1x64x64xf32, #tpu.memory_space<vmem>>, %arg7: memref<1x64x64xf32, #tpu.memory_space<vmem>>, %arg8: memref<1x64x64xf32, #tpu.memory_space<vmem>>, %arg9: memref<1x3x4096x64xf32, #tpu.memory_space<vmem>>) attributes {dimension_semantics = [#tpu.dimension_semantics<arbitrary>, #tpu.dimension_semantics<arbitrary>], iteration_bounds = array<i64: 2, 8>, scalar_prefetch = 0 : i64, scratch_operands = 0 : i64, tpu.core_type = #tpu.core_type<tc>, window_params = [{transform_indices = @transform_0, window_bounds = array<i64: 1, 4096, 64>}, {transform_indices = @transform_1, window_bounds = array<i64: 1, 512, 192>}, {transform_indices = @transform_2, window_bounds = array<i64: 1, 64, 192>}, {transform_indices = @transform_3, window_bounds = array<i64: 1, 64, 64>}, {transform_indices = @transform_4, window_bounds = array<i64: 1, 64, 64>}, {transform_indices = @transform_5, window_bounds = array<i64: 1, 64, 64>}, {transform_indices = @transform_6, window_bounds = array<i64: 1, 64, 64>}, {transform_indices = @transform_7, window_bounds = array<i64: 1, 3, 4096, 64>}]} {
    %get3A = arith.constant 0 : index
    %get3A_0 = arith.constant 0 : index
    %get3A_1 = arith.constant 0 : index
    %get3A_2 = vector.load %arg2[%get3A, %get3A_0, %get3A_1] : memref<1x4096x64xbf16, #tpu.memory_space<vmem>>, vector<1x4096x64xbf16>
    %get3A_3 = vector.shape_cast %get3A_2 : vector<1x4096x64xbf16> to vector<4096x64xbf16>
    %convert_element_type3A = arith.extf %get3A_3 : vector<4096x64xbf16> to vector<4096x64xf32>
    %iota3A = tpu.iota {dimensions = array<i32: 0>} : vector<4096x64xi32>
    %jit3A = arith.constant 64 : i32
    %div3A = vector.broadcast %jit3A : i32 to vector<4096x64xi32>
    %div3A_4 = arith.divsi %iota3A, %div3A : vector<4096x64xi32>
    %sign3A = arith.constant 0 : i32
    %sign3A_5 = vector.broadcast %sign3A : i32 to vector<4096x64xi32>
    %sign3A_6 = arith.cmpi sgt, %iota3A, %sign3A_5 : vector<4096x64xi32>
    %sign3A_7 = arith.extui %sign3A_6 : vector<4096x64xi1> to vector<4096x64xi32>
    %sign3A_8 = arith.constant 0 : i32
    %sign3A_9 = vector.broadcast %sign3A_8 : i32 to vector<4096x64xi32>
    %sign3A_10 = arith.cmpi slt, %iota3A, %sign3A_9 : vector<4096x64xi32>
    %sign3A_11 = arith.extui %sign3A_10 : vector<4096x64xi1> to vector<4096x64xi32>
    %sign3A_12 = arith.subi %sign3A_7, %sign3A_11 : vector<4096x64xi32>
    %sign3A_13 = arith.constant 0 : i32
    %sign3A_14 = arith.cmpi sgt, %jit3A, %sign3A_13 : i32
    %sign3A_15 = arith.extui %sign3A_14 : i1 to i32
    %sign3A_16 = arith.constant 0 : i32
    %sign3A_17 = arith.cmpi slt, %jit3A, %sign3A_16 : i32
    %sign3A_18 = arith.extui %sign3A_17 : i1 to i32
    %sign3A_19 = arith.subi %sign3A_15, %sign3A_18 : i32
    %ne3A = vector.broadcast %sign3A_19 : i32 to vector<4096x64xi32>
    %ne3A_20 = arith.cmpi ne, %sign3A_12, %ne3A : vector<4096x64xi32>
    %rem3A = vector.broadcast %jit3A : i32 to vector<4096x64xi32>
    %rem3A_21 = arith.remsi %iota3A, %rem3A : vector<4096x64xi32>
    %ne3A_22 = arith.constant 0 : i32
    %ne3A_23 = vector.broadcast %ne3A_22 : i32 to vector<4096x64xi32>
    %ne3A_24 = arith.cmpi ne, %rem3A_21, %ne3A_23 : vector<4096x64xi32>
    %and3A = arith.andi %ne3A_20, %ne3A_24 : vector<4096x64xi1>
    %sub3A = arith.constant 1 : i32
    %sub3A_25 = vector.broadcast %sub3A : i32 to vector<4096x64xi32>
    %sub3A_26 = arith.subi %div3A_4, %sub3A_25 : vector<4096x64xi32>
    %select_n3A = arith.select %and3A, %sub3A_26, %div3A_4 : vector<4096x64xi1>, vector<4096x64xi32>
    %iota3A_27 = tpu.iota {dimensions = array<i32: 1>} : vector<4096x64xi32>
    %eq3A = arith.cmpi eq, %select_n3A, %iota3A_27 : vector<4096x64xi32>
    %convert_element_type3A_28 = arith.extui %eq3A : vector<4096x64xi1> to vector<4096x64xi32>
    %convert_element_type3A_29 = arith.sitofp %convert_element_type3A_28 : vector<4096x64xi32> to vector<4096x64xf32>
    %convert_element_type3A_30 = arith.truncf %convert_element_type3A_29 : vector<4096x64xf32> to vector<4096x64xbf16>
    %iota3A_31 = tpu.iota {dimensions = array<i32: 0>} : vector<4096x256xi32>
    %jit3A_32 = arith.constant 64 : i32
    %eq3A_33 = arith.constant 0 : i32
    %eq3A_34 = arith.cmpi eq, %jit3A_32, %eq3A_33 : i32
    %jit3A_35 = arith.constant 1 : i32
    %select_n3A_36 = arith.select %eq3A_34, %jit3A_35, %jit3A_32 : i32
    %rem3A_37 = vector.broadcast %select_n3A_36 : i32 to vector<4096x256xi32>
    %rem3A_38 = arith.remsi %iota3A_31, %rem3A_37 : vector<4096x256xi32>
    %ne3A_39 = arith.constant 0 : i32
    %ne3A_40 = vector.broadcast %ne3A_39 : i32 to vector<4096x256xi32>
    %ne3A_41 = arith.cmpi ne, %rem3A_38, %ne3A_40 : vector<4096x256xi32>
    %lt3A = arith.constant 0 : i32
    %lt3A_42 = vector.broadcast %lt3A : i32 to vector<4096x256xi32>
    %lt3A_43 = arith.cmpi slt, %rem3A_38, %lt3A_42 : vector<4096x256xi32>
    %lt3A_44 = arith.constant 0 : i32
    %lt3A_45 = arith.cmpi slt, %select_n3A_36, %lt3A_44 : i32
    %ne3A_46 = vector.broadcast %lt3A_45 : i1 to vector<4096x256xi1>
    %ne3A_47 = vector.broadcast %ne3A_46 : vector<4096x256xi1> to vector<4096x256xi1>
    %ne3A_48 = arith.xori %lt3A_43, %ne3A_47 : vector<4096x256xi1>
    %and3A_49 = arith.andi %ne3A_48, %ne3A_41 : vector<4096x256xi1>
    %add3A = vector.broadcast %select_n3A_36 : i32 to vector<4096x256xi32>
    %add3A_50 = arith.addi %rem3A_38, %add3A : vector<4096x256xi32>
    %select_n3A_51 = arith.select %and3A_49, %add3A_50, %rem3A_38 : vector<4096x256xi1>, vector<4096x256xi32>
    %iota3A_52 = tpu.iota {dimensions = array<i32: 1>} : vector<4096x256xi32>
    %jit3A_53 = arith.constant 64 : i32
    %eq3A_54 = arith.constant 0 : i32
    %eq3A_55 = arith.cmpi eq, %jit3A_53, %eq3A_54 : i32
    %jit3A_56 = arith.constant 1 : i32
    %select_n3A_57 = arith.select %eq3A_55, %jit3A_56, %jit3A_53 : i32
    %rem3A_58 = vector.broadcast %select_n3A_57 : i32 to vector<4096x256xi32>
    %rem3A_59 = arith.remsi %iota3A_52, %rem3A_58 : vector<4096x256xi32>
    %ne3A_60 = arith.constant 0 : i32
    %ne3A_61 = vector.broadcast %ne3A_60 : i32 to vector<4096x256xi32>
    %ne3A_62 = arith.cmpi ne, %rem3A_59, %ne3A_61 : vector<4096x256xi32>
    %lt3A_63 = arith.constant 0 : i32
    %lt3A_64 = vector.broadcast %lt3A_63 : i32 to vector<4096x256xi32>
    %lt3A_65 = arith.cmpi slt, %rem3A_59, %lt3A_64 : vector<4096x256xi32>
    %lt3A_66 = arith.constant 0 : i32
    %lt3A_67 = arith.cmpi slt, %select_n3A_57, %lt3A_66 : i32
    %ne3A_68 = vector.broadcast %lt3A_67 : i1 to vector<4096x256xi1>
    %ne3A_69 = vector.broadcast %ne3A_68 : vector<4096x256xi1> to vector<4096x256xi1>
    %ne3A_70 = arith.xori %lt3A_65, %ne3A_69 : vector<4096x256xi1>
    %and3A_71 = arith.andi %ne3A_70, %ne3A_62 : vector<4096x256xi1>
    %add3A_72 = vector.broadcast %select_n3A_57 : i32 to vector<4096x256xi32>
    %add3A_73 = arith.addi %rem3A_59, %add3A_72 : vector<4096x256xi32>
    %select_n3A_74 = arith.select %and3A_71, %add3A_73, %rem3A_59 : vector<4096x256xi1>, vector<4096x256xi32>
    %eq3A_75 = arith.cmpi eq, %select_n3A_51, %select_n3A_74 : vector<4096x256xi32>
    %convert_element_type3A_76 = arith.extui %eq3A_75 : vector<4096x256xi1> to vector<4096x256xi32>
    %convert_element_type3A_77 = arith.sitofp %convert_element_type3A_76 : vector<4096x256xi32> to vector<4096x256xf32>
    %iota3A_78 = tpu.iota {dimensions = array<i32: 0>} : vector<256x256xi32>
    %jit3A_79 = arith.constant 64 : i32
    %div3A_80 = vector.broadcast %jit3A_79 : i32 to vector<256x256xi32>
    %div3A_81 = arith.divsi %iota3A_78, %div3A_80 : vector<256x256xi32>
    %sign3A_82 = arith.constant 0 : i32
    %sign3A_83 = vector.broadcast %sign3A_82 : i32 to vector<256x256xi32>
    %sign3A_84 = arith.cmpi sgt, %iota3A_78, %sign3A_83 : vector<256x256xi32>
    %sign3A_85 = arith.extui %sign3A_84 : vector<256x256xi1> to vector<256x256xi32>
    %sign3A_86 = arith.constant 0 : i32
    %sign3A_87 = vector.broadcast %sign3A_86 : i32 to vector<256x256xi32>
    %sign3A_88 = arith.cmpi slt, %iota3A_78, %sign3A_87 : vector<256x256xi32>
    %sign3A_89 = arith.extui %sign3A_88 : vector<256x256xi1> to vector<256x256xi32>
    %sign3A_90 = arith.subi %sign3A_85, %sign3A_89 : vector<256x256xi32>
    %sign3A_91 = arith.constant 0 : i32
    %sign3A_92 = arith.cmpi sgt, %jit3A_79, %sign3A_91 : i32
    %sign3A_93 = arith.extui %sign3A_92 : i1 to i32
    %sign3A_94 = arith.constant 0 : i32
    %sign3A_95 = arith.cmpi slt, %jit3A_79, %sign3A_94 : i32
    %sign3A_96 = arith.extui %sign3A_95 : i1 to i32
    %sign3A_97 = arith.subi %sign3A_93, %sign3A_96 : i32
    %ne3A_98 = vector.broadcast %sign3A_97 : i32 to vector<256x256xi32>
    %ne3A_99 = arith.cmpi ne, %sign3A_90, %ne3A_98 : vector<256x256xi32>
    %rem3A_100 = vector.broadcast %jit3A_79 : i32 to vector<256x256xi32>
    %rem3A_101 = arith.remsi %iota3A_78, %rem3A_100 : vector<256x256xi32>
    %ne3A_102 = arith.constant 0 : i32
    %ne3A_103 = vector.broadcast %ne3A_102 : i32 to vector<256x256xi32>
    %ne3A_104 = arith.cmpi ne, %rem3A_101, %ne3A_103 : vector<256x256xi32>
    %and3A_105 = arith.andi %ne3A_99, %ne3A_104 : vector<256x256xi1>
    %sub3A_106 = arith.constant 1 : i32
    %sub3A_107 = vector.broadcast %sub3A_106 : i32 to vector<256x256xi32>
    %sub3A_108 = arith.subi %div3A_81, %sub3A_107 : vector<256x256xi32>
    %select_n3A_109 = arith.select %and3A_105, %sub3A_108, %div3A_81 : vector<256x256xi1>, vector<256x256xi32>
    %iota3A_110 = tpu.iota {dimensions = array<i32: 1>} : vector<256x256xi32>
    %jit3A_111 = arith.constant 64 : i32
    %div3A_112 = vector.broadcast %jit3A_111 : i32 to vector<256x256xi32>
    %div3A_113 = arith.divsi %iota3A_110, %div3A_112 : vector<256x256xi32>
    %sign3A_114 = arith.constant 0 : i32
    %sign3A_115 = vector.broadcast %sign3A_114 : i32 to vector<256x256xi32>
    %sign3A_116 = arith.cmpi sgt, %iota3A_110, %sign3A_115 : vector<256x256xi32>
    %sign3A_117 = arith.extui %sign3A_116 : vector<256x256xi1> to vector<256x256xi32>
    %sign3A_118 = arith.constant 0 : i32
    %sign3A_119 = vector.broadcast %sign3A_118 : i32 to vector<256x256xi32>
    %sign3A_120 = arith.cmpi slt, %iota3A_110, %sign3A_119 : vector<256x256xi32>
    %sign3A_121 = arith.extui %sign3A_120 : vector<256x256xi1> to vector<256x256xi32>
    %sign3A_122 = arith.subi %sign3A_117, %sign3A_121 : vector<256x256xi32>
    %sign3A_123 = arith.constant 0 : i32
    %sign3A_124 = arith.cmpi sgt, %jit3A_111, %sign3A_123 : i32
    %sign3A_125 = arith.extui %sign3A_124 : i1 to i32
    %sign3A_126 = arith.constant 0 : i32
    %sign3A_127 = arith.cmpi slt, %jit3A_111, %sign3A_126 : i32
    %sign3A_128 = arith.extui %sign3A_127 : i1 to i32
    %sign3A_129 = arith.subi %sign3A_125, %sign3A_128 : i32
    %ne3A_130 = vector.broadcast %sign3A_129 : i32 to vector<256x256xi32>
    %ne3A_131 = arith.cmpi ne, %sign3A_122, %ne3A_130 : vector<256x256xi32>
    %rem3A_132 = vector.broadcast %jit3A_111 : i32 to vector<256x256xi32>
    %rem3A_133 = arith.remsi %iota3A_110, %rem3A_132 : vector<256x256xi32>
    %ne3A_134 = arith.constant 0 : i32
    %ne3A_135 = vector.broadcast %ne3A_134 : i32 to vector<256x256xi32>
    %ne3A_136 = arith.cmpi ne, %rem3A_133, %ne3A_135 : vector<256x256xi32>
    %and3A_137 = arith.andi %ne3A_131, %ne3A_136 : vector<256x256xi1>
    %sub3A_138 = arith.constant 1 : i32
    %sub3A_139 = vector.broadcast %sub3A_138 : i32 to vector<256x256xi32>
    %sub3A_140 = arith.subi %div3A_113, %sub3A_139 : vector<256x256xi32>
    %select_n3A_141 = arith.select %and3A_137, %sub3A_140, %div3A_113 : vector<256x256xi1>, vector<256x256xi32>
    %eq3A_142 = arith.cmpi eq, %select_n3A_109, %select_n3A_141 : vector<256x256xi32>
    %convert_element_type3A_143 = arith.extui %eq3A_142 : vector<256x256xi1> to vector<256x256xi32>
    %convert_element_type3A_144 = arith.sitofp %convert_element_type3A_143 : vector<256x256xi32> to vector<256x256xf32>
    %convert_element_type3A_145 = arith.truncf %convert_element_type3A_144 : vector<256x256xf32> to vector<256x256xbf16>
    %get3A_146 = arith.constant 0 : index
    %get3A_147 = arith.constant 0 : index
    %get3A_148 = arith.constant 0 : index
    %get3A_149 = vector.load %arg5[%get3A_146, %get3A_147, %get3A_148] : memref<1x64x64xi32, #tpu.memory_space<vmem>>, vector<1x64x64xi32>
    %get3A_150 = vector.shape_cast %get3A_149 : vector<1x64x64xi32> to vector<64x64xi32>
    %convert_element_type3A_151 = arith.sitofp %get3A_150 : vector<64x64xi32> to vector<64x64xf32>
    %sub3A_152 = arith.constant 2.560000e+02 : f32
    %sub3A_153 = vector.broadcast %sub3A_152 : f32 to vector<64x64xf32>
    %sub3A_154 = arith.subf %convert_element_type3A_151, %sub3A_153 : vector<64x64xf32>
    %get3A_155 = arith.constant 0 : index
    %get3A_156 = arith.constant 0 : index
    %get3A_157 = arith.constant 0 : index
    %get3A_158 = vector.load %arg6[%get3A_155, %get3A_156, %get3A_157] : memref<1x64x64xf32, #tpu.memory_space<vmem>>, vector<1x64x64xf32>
    %get3A_159 = vector.shape_cast %get3A_158 : vector<1x64x64xf32> to vector<64x64xf32>
    %get3A_160 = arith.constant 0 : index
    %get3A_161 = arith.constant 0 : index
    %get3A_162 = arith.constant 0 : index
    %get3A_163 = vector.load %arg7[%get3A_160, %get3A_161, %get3A_162] : memref<1x64x64xf32, #tpu.memory_space<vmem>>, vector<1x64x64xf32>
    %get3A_164 = vector.shape_cast %get3A_163 : vector<1x64x64xf32> to vector<64x64xf32>
    %get3A_165 = arith.constant 0 : index
    %get3A_166 = arith.constant 0 : index
    %get3A_167 = arith.constant 0 : index
    %get3A_168 = vector.load %arg8[%get3A_165, %get3A_166, %get3A_167] : memref<1x64x64xf32, #tpu.memory_space<vmem>>, vector<1x64x64xf32>
    %get3A_169 = vector.shape_cast %get3A_168 : vector<1x64x64xf32> to vector<64x64xf32>
    %concatenate3A = tpu.concatenate %sub3A_154, %get3A_159, %get3A_164, %get3A_169 in 1 : vector<64x64xf32>, vector<64x64xf32>, vector<64x64xf32>, vector<64x64xf32> -> vector<64x256xf32>
    %convert_element_type3A_170 = arith.truncf %concatenate3A : vector<64x256xf32> to vector<64x256xbf16>
    %dot_general3A = arith.constant dense<0.000000e+00> : vector<4096x256xf32>
    %dot_general3A_171 = tpu.matmul %convert_element_type3A_30, %convert_element_type3A_170, %dot_general3A {dimension_numbers = #tpu.dot_dimension_numbers<[1], [0], [0], [1], [0, 0, 1, 1], [], []>, transpose_lhs_hint = false} : vector<4096x64xbf16>, vector<64x256xbf16>, vector<4096x256xf32> -> vector<4096x256xf32>
    %mul3A = arith.mulf %dot_general3A_171, %convert_element_type3A_77 : vector<4096x256xf32>
    %convert_element_type3A_172 = arith.truncf %mul3A : vector<4096x256xf32> to vector<4096x256xbf16>
    %dot_general3A_173 = arith.constant dense<0.000000e+00> : vector<4096x256xf32>
    %dot_general3A_174 = tpu.matmul %convert_element_type3A_172, %convert_element_type3A_145, %dot_general3A_173 {dimension_numbers = #tpu.dot_dimension_numbers<[1], [0], [0], [1], [0, 0, 1, 1], [], []>, transpose_lhs_hint = false} : vector<4096x256xbf16>, vector<256x256xbf16>, vector<4096x256xf32> -> vector<4096x256xf32>
    %slice3A = vector.extract_strided_slice %dot_general3A_174 {offsets = [0, 0], sizes = [4096, 64], strides = [1, 1]} : vector<4096x256xf32> to vector<4096x64xf32>
    %slice3A_175 = vector.extract_strided_slice %dot_general3A_174 {offsets = [0, 64], sizes = [4096, 64], strides = [1, 1]} : vector<4096x256xf32> to vector<4096x64xf32>
    %slice3A_176 = vector.extract_strided_slice %dot_general3A_174 {offsets = [0, 128], sizes = [4096, 64], strides = [1, 1]} : vector<4096x256xf32> to vector<4096x64xf32>
    %slice3A_177 = vector.extract_strided_slice %dot_general3A_174 {offsets = [0, 192], sizes = [4096, 64], strides = [1, 1]} : vector<4096x256xf32> to vector<4096x64xf32>
    %iota3A_178 = tpu.iota {dimensions = array<i32: 1>} : vector<4096x64xi32>
    %convert_element_type3A_179 = arith.sitofp %iota3A_178 : vector<4096x64xi32> to vector<4096x64xf32>
    %sub3A_180 = arith.constant 2.560000e+02 : f32
    %sub3A_181 = vector.broadcast %sub3A_180 : f32 to vector<4096x64xf32>
    %sub3A_182 = arith.subf %convert_element_type3A_179, %sub3A_181 : vector<4096x64xf32>
    %add3A_183 = arith.constant 0.000000e+00 : f32
    %add3A_184 = vector.broadcast %add3A_183 : f32 to vector<4096x64xf32>
    %add3A_185 = arith.addf %sub3A_182, %add3A_184 : vector<4096x64xf32>
    %eq3A_186 = arith.cmpf oeq, %slice3A, %add3A_185 : vector<4096x64xf32>
    %convert_element_type3A_187 = arith.extui %eq3A_186 : vector<4096x64xi1> to vector<4096x64xi32>
    %convert_element_type3A_188 = arith.sitofp %convert_element_type3A_187 : vector<4096x64xi32> to vector<4096x64xf32>
    %convert_element_type3A_189 = arith.truncf %convert_element_type3A_188 : vector<4096x64xf32> to vector<4096x64xbf16>
    %add3A_190 = arith.constant 6.400000e+01 : f32
    %add3A_191 = vector.broadcast %add3A_190 : f32 to vector<4096x64xf32>
    %add3A_192 = arith.addf %sub3A_182, %add3A_191 : vector<4096x64xf32>
    %eq3A_193 = arith.cmpf oeq, %slice3A, %add3A_192 : vector<4096x64xf32>
    %convert_element_type3A_194 = arith.extui %eq3A_193 : vector<4096x64xi1> to vector<4096x64xi32>
    %convert_element_type3A_195 = arith.sitofp %convert_element_type3A_194 : vector<4096x64xi32> to vector<4096x64xf32>
    %convert_element_type3A_196 = arith.truncf %convert_element_type3A_195 : vector<4096x64xf32> to vector<4096x64xbf16>
    %add3A_197 = arith.constant 1.280000e+02 : f32
    %add3A_198 = vector.broadcast %add3A_197 : f32 to vector<4096x64xf32>
    %add3A_199 = arith.addf %sub3A_182, %add3A_198 : vector<4096x64xf32>
    %eq3A_200 = arith.cmpf oeq, %slice3A, %add3A_199 : vector<4096x64xf32>
    %convert_element_type3A_201 = arith.extui %eq3A_200 : vector<4096x64xi1> to vector<4096x64xi32>
    %convert_element_type3A_202 = arith.sitofp %convert_element_type3A_201 : vector<4096x64xi32> to vector<4096x64xf32>
    %convert_element_type3A_203 = arith.truncf %convert_element_type3A_202 : vector<4096x64xf32> to vector<4096x64xbf16>
    %add3A_204 = arith.constant 1.920000e+02 : f32
    %add3A_205 = vector.broadcast %add3A_204 : f32 to vector<4096x64xf32>
    %add3A_206 = arith.addf %sub3A_182, %add3A_205 : vector<4096x64xf32>
    %eq3A_207 = arith.cmpf oeq, %slice3A, %add3A_206 : vector<4096x64xf32>
    %convert_element_type3A_208 = arith.extui %eq3A_207 : vector<4096x64xi1> to vector<4096x64xi32>
    %convert_element_type3A_209 = arith.sitofp %convert_element_type3A_208 : vector<4096x64xi32> to vector<4096x64xf32>
    %convert_element_type3A_210 = arith.truncf %convert_element_type3A_209 : vector<4096x64xf32> to vector<4096x64xbf16>
    %add3A_211 = arith.constant 2.560000e+02 : f32
    %add3A_212 = vector.broadcast %add3A_211 : f32 to vector<4096x64xf32>
    %add3A_213 = arith.addf %sub3A_182, %add3A_212 : vector<4096x64xf32>
    %eq3A_214 = arith.cmpf oeq, %slice3A, %add3A_213 : vector<4096x64xf32>
    %convert_element_type3A_215 = arith.extui %eq3A_214 : vector<4096x64xi1> to vector<4096x64xi32>
    %convert_element_type3A_216 = arith.sitofp %convert_element_type3A_215 : vector<4096x64xi32> to vector<4096x64xf32>
    %convert_element_type3A_217 = arith.truncf %convert_element_type3A_216 : vector<4096x64xf32> to vector<4096x64xbf16>
    %add3A_218 = arith.constant 3.200000e+02 : f32
    %add3A_219 = vector.broadcast %add3A_218 : f32 to vector<4096x64xf32>
    %add3A_220 = arith.addf %sub3A_182, %add3A_219 : vector<4096x64xf32>
    %eq3A_221 = arith.cmpf oeq, %slice3A, %add3A_220 : vector<4096x64xf32>
    %convert_element_type3A_222 = arith.extui %eq3A_221 : vector<4096x64xi1> to vector<4096x64xi32>
    %convert_element_type3A_223 = arith.sitofp %convert_element_type3A_222 : vector<4096x64xi32> to vector<4096x64xf32>
    %convert_element_type3A_224 = arith.truncf %convert_element_type3A_223 : vector<4096x64xf32> to vector<4096x64xbf16>
    %add3A_225 = arith.constant 3.840000e+02 : f32
    %add3A_226 = vector.broadcast %add3A_225 : f32 to vector<4096x64xf32>
    %add3A_227 = arith.addf %sub3A_182, %add3A_226 : vector<4096x64xf32>
    %eq3A_228 = arith.cmpf oeq, %slice3A, %add3A_227 : vector<4096x64xf32>
    %convert_element_type3A_229 = arith.extui %eq3A_228 : vector<4096x64xi1> to vector<4096x64xi32>
    %convert_element_type3A_230 = arith.sitofp %convert_element_type3A_229 : vector<4096x64xi32> to vector<4096x64xf32>
    %convert_element_type3A_231 = arith.truncf %convert_element_type3A_230 : vector<4096x64xf32> to vector<4096x64xbf16>
    %add3A_232 = arith.constant 4.480000e+02 : f32
    %add3A_233 = vector.broadcast %add3A_232 : f32 to vector<4096x64xf32>
    %add3A_234 = arith.addf %sub3A_182, %add3A_233 : vector<4096x64xf32>
    %eq3A_235 = arith.cmpf oeq, %slice3A, %add3A_234 : vector<4096x64xf32>
    %convert_element_type3A_236 = arith.extui %eq3A_235 : vector<4096x64xi1> to vector<4096x64xi32>
    %convert_element_type3A_237 = arith.sitofp %convert_element_type3A_236 : vector<4096x64xi32> to vector<4096x64xf32>
    %convert_element_type3A_238 = arith.truncf %convert_element_type3A_237 : vector<4096x64xf32> to vector<4096x64xbf16>
    %concatenate3A_239 = tpu.concatenate %convert_element_type3A_189, %convert_element_type3A_196, %convert_element_type3A_203, %convert_element_type3A_210, %convert_element_type3A_217, %convert_element_type3A_224, %convert_element_type3A_231, %convert_element_type3A_238 in 1 : vector<4096x64xbf16>, vector<4096x64xbf16>, vector<4096x64xbf16>, vector<4096x64xbf16>, vector<4096x64xbf16>, vector<4096x64xbf16>, vector<4096x64xbf16>, vector<4096x64xbf16> -> vector<4096x512xbf16>
    %get3A_240 = arith.constant 0 : index
    %get3A_241 = arith.constant 0 : index
    %get3A_242 = arith.constant 0 : index
    %get3A_243 = vector.load %arg3[%get3A_240, %get3A_241, %get3A_242] : memref<1x512x192xf32, #tpu.memory_space<vmem>>, vector<1x512x192xf32>
    %get3A_244 = vector.shape_cast %get3A_243 : vector<1x512x192xf32> to vector<512x192xf32>
    %convert_element_type3A_245 = arith.truncf %get3A_244 : vector<512x192xf32> to vector<512x192xbf16>
    %dot_general3A_246 = arith.constant dense<0.000000e+00> : vector<4096x192xf32>
    %dot_general3A_247 = tpu.matmul %concatenate3A_239, %convert_element_type3A_245, %dot_general3A_246 {dimension_numbers = #tpu.dot_dimension_numbers<[1], [0], [0], [1], [0, 0, 1, 1], [], []>, transpose_lhs_hint = false} : vector<4096x512xbf16>, vector<512x192xbf16>, vector<4096x192xf32> -> vector<4096x192xf32>
    %get3A_248 = arith.constant 0 : index
    %get3A_249 = arith.constant 0 : index
    %get3A_250 = arith.constant 0 : index
    %get3A_251 = vector.load %arg4[%get3A_248, %get3A_249, %get3A_250] : memref<1x64x192xf32, #tpu.memory_space<vmem>>, vector<1x64x192xf32>
    %get3A_252 = vector.shape_cast %get3A_251 : vector<1x64x192xf32> to vector<64x192xf32>
    %convert_element_type3A_253 = arith.truncf %get3A_252 : vector<64x192xf32> to vector<64x192xbf16>
    %dot_general3A_254 = arith.constant dense<0.000000e+00> : vector<4096x192xf32>
    %dot_general3A_255 = tpu.matmul %convert_element_type3A_30, %convert_element_type3A_253, %dot_general3A_254 {dimension_numbers = #tpu.dot_dimension_numbers<[1], [0], [0], [1], [0, 0, 1, 1], [], []>, transpose_lhs_hint = false} : vector<4096x64xbf16>, vector<64x192xbf16>, vector<4096x192xf32> -> vector<4096x192xf32>
    %mul3A_256 = arith.mulf %convert_element_type3A, %slice3A_175 : vector<4096x64xf32>
    %slice3A_257 = vector.extract_strided_slice %dot_general3A_255 {offsets = [0, 0], sizes = [4096, 64], strides = [1, 1]} : vector<4096x192xf32> to vector<4096x64xf32>
    %add3A_258 = arith.addf %mul3A_256, %slice3A_257 : vector<4096x64xf32>
    %slice3A_259 = vector.extract_strided_slice %dot_general3A_247 {offsets = [0, 0], sizes = [4096, 64], strides = [1, 1]} : vector<4096x192xf32> to vector<4096x64xf32>
    %add3A_260 = arith.addf %add3A_258, %slice3A_259 : vector<4096x64xf32>
    %swap3A = arith.constant 0 : index
    %swap3A_261 = arith.constant 0 : index
    %swap3A_262 = arith.constant 0 : index
    %swap3A_263 = arith.constant 0 : index
    %swap3A_264 = vector.load %arg9[%swap3A, %swap3A_261, %swap3A_262, %swap3A_263] : memref<1x3x4096x64xf32, #tpu.memory_space<vmem>>, vector<1x1x4096x64xf32>
    %swap3A_265 = vector.shape_cast %swap3A_264 : vector<1x1x4096x64xf32> to vector<4096x64xf32>
    %swap3A_266 = vector.shape_cast %add3A_260 : vector<4096x64xf32> to vector<1x1x4096x64xf32>
    tpu.vector_store %arg9[%swap3A, %swap3A_261, %swap3A_262, %swap3A_263], %swap3A_266 {strides = array<i32>} : memref<1x3x4096x64xf32, #tpu.memory_space<vmem>>, vector<1x1x4096x64xf32>,
    %mul3A_267 = arith.mulf %convert_element_type3A, %slice3A_176 : vector<4096x64xf32>
    %slice3A_268 = vector.extract_strided_slice %dot_general3A_255 {offsets = [0, 64], sizes = [4096, 64], strides = [1, 1]} : vector<4096x192xf32> to vector<4096x64xf32>
    %add3A_269 = arith.addf %mul3A_267, %slice3A_268 : vector<4096x64xf32>
    %slice3A_270 = vector.extract_strided_slice %dot_general3A_247 {offsets = [0, 64], sizes = [4096, 64], strides = [1, 1]} : vector<4096x192xf32> to vector<4096x64xf32>
    %add3A_271 = arith.addf %add3A_269, %slice3A_270 : vector<4096x64xf32>
    %swap3A_272 = arith.constant 0 : index
    %swap3A_273 = arith.constant 1 : index
    %swap3A_274 = arith.constant 0 : index
    %swap3A_275 = arith.constant 0 : index
    %swap3A_276 = vector.load %arg9[%swap3A_272, %swap3A_273, %swap3A_274, %swap3A_275] : memref<1x3x4096x64xf32, #tpu.memory_space<vmem>>, vector<1x1x4096x64xf32>
    %swap3A_277 = vector.shape_cast %swap3A_276 : vector<1x1x4096x64xf32> to vector<4096x64xf32>
    %swap3A_278 = vector.shape_cast %add3A_271 : vector<4096x64xf32> to vector<1x1x4096x64xf32>
    tpu.vector_store %arg9[%swap3A_272, %swap3A_273, %swap3A_274, %swap3A_275], %swap3A_278 {strides = array<i32>} : memref<1x3x4096x64xf32, #tpu.memory_space<vmem>>, vector<1x1x4096x64xf32>,
    %mul3A_279 = arith.mulf %convert_element_type3A, %slice3A_177 : vector<4096x64xf32>
    %slice3A_280 = vector.extract_strided_slice %dot_general3A_255 {offsets = [0, 128], sizes = [4096, 64], strides = [1, 1]} : vector<4096x192xf32> to vector<4096x64xf32>
    %add3A_281 = arith.addf %mul3A_279, %slice3A_280 : vector<4096x64xf32>
    %slice3A_282 = vector.extract_strided_slice %dot_general3A_247 {offsets = [0, 128], sizes = [4096, 64], strides = [1, 1]} : vector<4096x192xf32> to vector<4096x64xf32>
    %add3A_283 = arith.addf %add3A_281, %slice3A_282 : vector<4096x64xf32>
    %swap3A_284 = arith.constant 0 : index
    %swap3A_285 = arith.constant 2 : index
    %swap3A_286 = arith.constant 0 : index
    %swap3A_287 = arith.constant 0 : index
    %swap3A_288 = vector.load %arg9[%swap3A_284, %swap3A_285, %swap3A_286, %swap3A_287] : memref<1x3x4096x64xf32, #tpu.memory_space<vmem>>, vector<1x1x4096x64xf32>
    %swap3A_289 = vector.shape_cast %swap3A_288 : vector<1x1x4096x64xf32> to vector<4096x64xf32>
    %swap3A_290 = vector.shape_cast %add3A_283 : vector<4096x64xf32> to vector<1x1x4096x64xf32>
    tpu.vector_store %arg9[%swap3A_284, %swap3A_285, %swap3A_286, %swap3A_287], %swap3A_290 {strides = array<i32>} : memref<1x3x4096x64xf32, #tpu.memory_space<vmem>>, vector<1x1x4096x64xf32>,
    return
  }
  func.func @transform_0(%arg0: i32, %arg1: i32) -> (i32, i32, i32) {
    %c0_i32 = arith.constant 0 : i32
    %c0_i32_0 = arith.constant 0 : i32
    return %arg0, %arg1, %c0_i32 : i32, i32, i32
  }
  func.func @transform_1(%arg0: i32, %arg1: i32) -> (i32, i32, i32) {
    %c0_i32 = arith.constant 0 : i32
    %c0_i32_0 = arith.constant 0 : i32
    %c0_i32_1 = arith.constant 0 : i32
    return %arg0, %c0_i32, %c0_i32_0 : i32, i32, i32
  }
  func.func @transform_2(%arg0: i32, %arg1: i32) -> (i32, i32, i32) {
    %c0_i32 = arith.constant 0 : i32
    %c0_i32_0 = arith.constant 0 : i32
    return %arg0, %arg1, %c0_i32 : i32, i32, i32
  }
  func.func @transform_3(%arg0: i32, %arg1: i32) -> (i32, i32, i32) {
    %c0_i32 = arith.constant 0 : i32
    %c0_i32_0 = arith.constant 0 : i32
    return %arg0, %arg1, %c0_i32 : i32, i32, i32
  }
  func.func @transform_4(%arg0: i32, %arg1: i32) -> (i32, i32, i32) {
    %c0_i32 = arith.constant 0 : i32
    %c0_i32_0 = arith.constant 0 : i32
    return %arg0, %arg1, %c0_i32 : i32, i32, i32
  }
  func.func @transform_5(%arg0: i32, %arg1: i32) -> (i32, i32, i32) {
    %c0_i32 = arith.constant 0 : i32
    %c0_i32_0 = arith.constant 0 : i32
    return %arg0, %arg1, %c0_i32 : i32, i32, i32
  }
  func.func @transform_6(%arg0: i32, %arg1: i32) -> (i32, i32, i32) {
    %c0_i32 = arith.constant 0 : i32
    %c0_i32_0 = arith.constant 0 : i32
    return %arg0, %arg1, %c0_i32 : i32, i32, i32
  }
  func.func @transform_7(%arg0: i32, %arg1: i32) -> (i32, i32, i32, i32) {
    %c0_i32 = arith.constant 0 : i32
    %c0_i32_0 = arith.constant 0 : i32
    %c0_i32_1 = arith.constant 0 : i32
    return %arg0, %c0_i32, %arg1, %c0_i32_0 : i32, i32, i32, i32
  }
}

module attributes {stable_mosaic.version = 14 : i64} {
  func.func @_kernel_a(%arg0: i32, %arg1: i32, %arg2: memref<1x512x64xf32, #tpu.memory_space<vmem>>, %arg3: memref<1x64x64x50xf32, #tpu.memory_space<vmem>>, %arg4: memref<1x64x64xf32, #tpu.memory_space<vmem>>, %arg5: memref<1x64x64xf32, #tpu.memory_space<vmem>>, %arg6: memref<1x64x64xf32, #tpu.memory_space<vmem>>, %arg7: memref<1x64x64xf32, #tpu.memory_space<vmem>>, %arg8: memref<1x64x64xf32, #tpu.memory_space<vmem>>, %arg9: memref<1x64x64xi32, #tpu.memory_space<vmem>>, %arg10: memref<50x64xf32, #tpu.memory_space<vmem>>, %arg11: memref<1x64xf32, #tpu.memory_space<vmem>>, %arg12: memref<64x64xf32, #tpu.memory_space<vmem>>, %arg13: memref<1x64xf32, #tpu.memory_space<vmem>>, %arg14: memref<64x64xf32, #tpu.memory_space<vmem>>, %arg15: memref<64x64xf32, #tpu.memory_space<vmem>>, %arg16: memref<1x64xf32, #tpu.memory_space<vmem>>, %arg17: memref<64x64xf32, #tpu.memory_space<vmem>>, %arg18: memref<1x64xf32, #tpu.memory_space<vmem>>, %arg19: memref<64x64xf32, #tpu.memory_space<vmem>>, %arg20: memref<1x64xf32, #tpu.memory_space<vmem>>, %arg21: memref<64x128xf32, #tpu.memory_space<vmem>>, %arg22: memref<1x128xf32, #tpu.memory_space<vmem>>, %arg23: memref<128x128xf32, #tpu.memory_space<vmem>>, %arg24: memref<1x128xf32, #tpu.memory_space<vmem>>, %arg25: memref<1x64x64xf32, #tpu.memory_space<vmem>>, %arg26: memref<1x4096x64xbf16, #tpu.memory_space<vmem>>, %arg27: memref<1x64x192xf32, #tpu.memory_space<vmem>>) attributes {dimension_semantics = [#tpu.dimension_semantics<arbitrary>, #tpu.dimension_semantics<arbitrary>], iteration_bounds = array<i64: 2, 8>, scalar_prefetch = 0 : i64, scratch_operands = 0 : i64, tpu.core_type = #tpu.core_type<tc>, window_params = [{transform_indices = @transform_0, window_bounds = array<i64: 1, 512, 64>}, {transform_indices = @transform_1, window_bounds = array<i64: 1, 64, 64, 50>}, {transform_indices = @transform_2, window_bounds = array<i64: 1, 64, 64>}, {transform_indices = @transform_3, window_bounds = array<i64: 1, 64, 64>}, {transform_indices = @transform_4, window_bounds = array<i64: 1, 64, 64>}, {transform_indices = @transform_5, window_bounds = array<i64: 1, 64, 64>}, {transform_indices = @transform_6, window_bounds = array<i64: 1, 64, 64>}, {transform_indices = @transform_7, window_bounds = array<i64: 1, 64, 64>}, {transform_indices = @transform_8, window_bounds = array<i64: 50, 64>}, {transform_indices = @transform_9, window_bounds = array<i64: 1, 64>}, {transform_indices = @transform_10, window_bounds = array<i64: 64, 64>}, {transform_indices = @transform_11, window_bounds = array<i64: 1, 64>}, {transform_indices = @transform_12, window_bounds = array<i64: 64, 64>}, {transform_indices = @transform_13, window_bounds = array<i64: 64, 64>}, {transform_indices = @transform_14, window_bounds = array<i64: 1, 64>}, {transform_indices = @transform_15, window_bounds = array<i64: 64, 64>}, {transform_indices = @transform_16, window_bounds = array<i64: 1, 64>}, {transform_indices = @transform_17, window_bounds = array<i64: 64, 64>}, {transform_indices = @transform_18, window_bounds = array<i64: 1, 64>}, {transform_indices = @transform_19, window_bounds = array<i64: 64, 128>}, {transform_indices = @transform_20, window_bounds = array<i64: 1, 128>}, {transform_indices = @transform_21, window_bounds = array<i64: 128, 128>}, {transform_indices = @transform_22, window_bounds = array<i64: 1, 128>}, {transform_indices = @transform_23, window_bounds = array<i64: 1, 64, 64>}, {transform_indices = @transform_24, window_bounds = array<i64: 1, 4096, 64>}, {transform_indices = @transform_25, window_bounds = array<i64: 1, 64, 192>}]} {
    %get3A = arith.constant 0 : index
    %get3A_0 = arith.constant 0 : index
    %get3A_1 = arith.constant 0 : index
    %get3A_2 = vector.load %arg2[%get3A, %get3A_0, %get3A_1] : memref<1x512x64xf32, #tpu.memory_space<vmem>>, vector<1x512x64xf32>
    %get3A_3 = vector.shape_cast %get3A_2 : vector<1x512x64xf32> to vector<512x64xf32>
    %convert_element_type3A = arith.truncf %get3A_3 : vector<512x64xf32> to vector<512x64xbf16>
    %get3A_4 = arith.constant 0 : index
    %get3A_5 = arith.constant 0 : index
    %get3A_6 = vector.load %arg14[%get3A_4, %get3A_5] : memref<64x64xf32, #tpu.memory_space<vmem>>, vector<64x64xf32>
    %convert_element_type3A_7 = arith.truncf %get3A_6 : vector<64x64xf32> to vector<64x64xbf16>
    %dot_general3A = arith.constant dense<0.000000e+00> : vector<512x64xf32>
    %dot_general3A_8 = tpu.matmul %convert_element_type3A, %convert_element_type3A_7, %dot_general3A {dimension_numbers = #tpu.dot_dimension_numbers<[1], [0], [0], [1], [0, 0, 1, 1], [], []>, transpose_lhs_hint = false} : vector<512x64xbf16>, vector<64x64xbf16>, vector<512x64xf32> -> vector<512x64xf32>
    %convert_element_type3A_9 = arith.truncf %dot_general3A_8 : vector<512x64xf32> to vector<512x64xbf16>
    %get3A_10 = arith.constant 0 : index
    %get3A_11 = arith.constant 0 : index
    %get3A_12 = arith.constant 0 : index
    %get3A_13 = arith.constant 0 : index
    %get3A_14 = vector.load %arg3[%get3A_10, %get3A_11, %get3A_12, %get3A_13] : memref<1x64x64x50xf32, #tpu.memory_space<vmem>>, vector<1x32x64x50xf32>
    %get3A_15 = vector.shape_cast %get3A_14 : vector<1x32x64x50xf32> to vector<32x64x50xf32>
    %reshape3A = vector.shape_cast %get3A_15 : vector<32x64x50xf32> to vector<2048x50xf32>
    %convert_element_type3A_16 = arith.truncf %reshape3A : vector<2048x50xf32> to vector<2048x50xbf16>
    %get3A_17 = arith.constant 0 : index
    %get3A_18 = arith.constant 0 : index
    %get3A_19 = vector.load %arg10[%get3A_17, %get3A_18] : memref<50x64xf32, #tpu.memory_space<vmem>>, vector<50x64xf32>
    %convert_element_type3A_20 = arith.truncf %get3A_19 : vector<50x64xf32> to vector<50x64xbf16>
    %dot_general3A_21 = arith.constant dense<0.000000e+00> : vector<2048x64xf32>
    %dot_general3A_22 = tpu.matmul %convert_element_type3A_16, %convert_element_type3A_20, %dot_general3A_21 {dimension_numbers = #tpu.dot_dimension_numbers<[1], [0], [0], [1], [0, 0, 1, 1], [], []>, transpose_lhs_hint = false} : vector<2048x50xbf16>, vector<50x64xbf16>, vector<2048x64xf32> -> vector<2048x64xf32>
    %get3A_23 = arith.constant 0 : index
    %get3A_24 = arith.constant 0 : index
    %get3A_25 = vector.load %arg11[%get3A_23, %get3A_24] : memref<1x64xf32, #tpu.memory_space<vmem>>, vector<1x64xf32>
    %add3A = vector.broadcast %get3A_25 : vector<1x64xf32> to vector<2048x64xf32>
    %add3A_26 = arith.addf %dot_general3A_22, %add3A : vector<2048x64xf32>
    %exp3A = math.exp %add3A_26 : vector<2048x64xf32>
    %mul3A = arith.constant 5.000000e-01 : f32
    %mul3A_27 = vector.broadcast %mul3A : f32 to vector<2048x64xf32>
    %mul3A_28 = arith.mulf %mul3A_27, %exp3A : vector<2048x64xf32>
    %add3A_29 = arith.constant 5.000000e-01 : f32
    %add3A_30 = vector.broadcast %add3A_29 : f32 to vector<2048x64xf32>
    %add3A_31 = arith.addf %add3A_30, %mul3A_28 : vector<2048x64xf32>
    %log3A = math.log %add3A_31 : vector<2048x64xf32>
    %convert_element_type3A_32 = arith.truncf %log3A : vector<2048x64xf32> to vector<2048x64xbf16>
    %get3A_33 = arith.constant 0 : index
    %get3A_34 = arith.constant 0 : index
    %get3A_35 = vector.load %arg12[%get3A_33, %get3A_34] : memref<64x64xf32, #tpu.memory_space<vmem>>, vector<64x64xf32>
    %convert_element_type3A_36 = arith.truncf %get3A_35 : vector<64x64xf32> to vector<64x64xbf16>
    %dot_general3A_37 = arith.constant dense<0.000000e+00> : vector<2048x64xf32>
    %dot_general3A_38 = tpu.matmul %convert_element_type3A_32, %convert_element_type3A_36, %dot_general3A_37 {dimension_numbers = #tpu.dot_dimension_numbers<[1], [0], [0], [1], [0, 0, 1, 1], [], []>, transpose_lhs_hint = false} : vector<2048x64xbf16>, vector<64x64xbf16>, vector<2048x64xf32> -> vector<2048x64xf32>
    %get3A_39 = arith.constant 0 : index
    %get3A_40 = arith.constant 0 : index
    %get3A_41 = vector.load %arg13[%get3A_39, %get3A_40] : memref<1x64xf32, #tpu.memory_space<vmem>>, vector<1x64xf32>
    %add3A_42 = vector.broadcast %get3A_41 : vector<1x64xf32> to vector<2048x64xf32>
    %add3A_43 = arith.addf %dot_general3A_38, %add3A_42 : vector<2048x64xf32>
    %get3A_44 = arith.constant 0 : index
    %get3A_45 = arith.constant 0 : index
    %get3A_46 = arith.constant 0 : index
    %get3A_47 = vector.load %arg4[%get3A_44, %get3A_45, %get3A_46] : memref<1x64x64xf32, #tpu.memory_space<vmem>>, vector<1x32x64xf32>
    %get3A_48 = vector.shape_cast %get3A_47 : vector<1x32x64xf32> to vector<32x64xf32>
    %mul3A_49 = arith.constant 0.628318548 : f32
    %mul3A_50 = vector.broadcast %mul3A_49 : f32 to vector<32x64xf32>
    %mul3A_51 = arith.mulf %get3A_48, %mul3A_50 : vector<32x64xf32>
    %min3A = arith.constant 3.14159274 : f32
    %min3A_52 = vector.broadcast %min3A : f32 to vector<32x64xf32>
    %min3A_53 = arith.minimumf %mul3A_51, %min3A_52 : vector<32x64xf32>
    %mul3A_54 = arith.mulf %min3A_53, %min3A_53 : vector<32x64xf32>
    %broadcast_in_dim3A = arith.constant -1.14707454E-11 : f32
    %broadcast_in_dim3A_55 = vector.broadcast %broadcast_in_dim3A : f32 to vector<32x64xf32>
    %mul3A_56 = arith.mulf %broadcast_in_dim3A_55, %mul3A_54 : vector<32x64xf32>
    %add3A_57 = arith.constant 2.08767559E-9 : f32
    %add3A_58 = vector.broadcast %add3A_57 : f32 to vector<32x64xf32>
    %add3A_59 = arith.addf %mul3A_56, %add3A_58 : vector<32x64xf32>
    %mul3A_60 = arith.mulf %add3A_59, %mul3A_54 : vector<32x64xf32>
    %add3A_61 = arith.constant -2.755732E-7 : f32
    %add3A_62 = vector.broadcast %add3A_61 : f32 to vector<32x64xf32>
    %add3A_63 = arith.addf %mul3A_60, %add3A_62 : vector<32x64xf32>
    %mul3A_64 = arith.mulf %add3A_63, %mul3A_54 : vector<32x64xf32>
    %add3A_65 = arith.constant 2.48015876E-5 : f32
    %add3A_66 = vector.broadcast %add3A_65 : f32 to vector<32x64xf32>
    %add3A_67 = arith.addf %mul3A_64, %add3A_66 : vector<32x64xf32>
    %mul3A_68 = arith.mulf %add3A_67, %mul3A_54 : vector<32x64xf32>
    %add3A_69 = arith.constant -0.00138888892 : f32
    %add3A_70 = vector.broadcast %add3A_69 : f32 to vector<32x64xf32>
    %add3A_71 = arith.addf %mul3A_68, %add3A_70 : vector<32x64xf32>
    %mul3A_72 = arith.mulf %add3A_71, %mul3A_54 : vector<32x64xf32>
    %add3A_73 = arith.constant 0.0416666679 : f32
    %add3A_74 = vector.broadcast %add3A_73 : f32 to vector<32x64xf32>
    %add3A_75 = arith.addf %mul3A_72, %add3A_74 : vector<32x64xf32>
    %mul3A_76 = arith.mulf %add3A_75, %mul3A_54 : vector<32x64xf32>
    %add3A_77 = arith.constant -5.000000e-01 : f32
    %add3A_78 = vector.broadcast %add3A_77 : f32 to vector<32x64xf32>
    %add3A_79 = arith.addf %mul3A_76, %add3A_78 : vector<32x64xf32>
    %mul3A_80 = arith.mulf %add3A_79, %mul3A_54 : vector<32x64xf32>
    %add3A_81 = arith.constant 1.000000e+00 : f32
    %add3A_82 = vector.broadcast %add3A_81 : f32 to vector<32x64xf32>
    %add3A_83 = arith.addf %mul3A_80, %add3A_82 : vector<32x64xf32>
    %add3A_84 = arith.constant 1.000000e+00 : f32
    %add3A_85 = vector.broadcast %add3A_84 : f32 to vector<32x64xf32>
    %add3A_86 = arith.addf %add3A_83, %add3A_85 : vector<32x64xf32>
    %mul3A_87 = arith.constant 5.000000e-01 : f32
    %mul3A_88 = vector.broadcast %mul3A_87 : f32 to vector<32x64xf32>
    %mul3A_89 = arith.mulf %mul3A_88, %add3A_86 : vector<32x64xf32>
    %lt3A = arith.constant 5.000000e+00 : f32
    %lt3A_90 = vector.broadcast %lt3A : f32 to vector<32x64xf32>
    %lt3A_91 = arith.cmpf olt, %get3A_48, %lt3A_90 : vector<32x64xf32>
    %convert_element_type3A_92 = arith.extui %lt3A_91 : vector<32x64xi1> to vector<32x64xi32>
    %convert_element_type3A_93 = arith.sitofp %convert_element_type3A_92 : vector<32x64xi32> to vector<32x64xf32>
    %mul3A_94 = arith.mulf %mul3A_89, %convert_element_type3A_93 : vector<32x64xf32>
    %iota3A = tpu.iota {dimensions = array<i32: 0>} : vector<2048x32xi32>
    %jit3A = arith.constant 64 : i32
    %div3A = vector.broadcast %jit3A : i32 to vector<2048x32xi32>
    %div3A_95 = arith.divsi %iota3A, %div3A : vector<2048x32xi32>
    %sign3A = arith.constant 0 : i32
    %sign3A_96 = vector.broadcast %sign3A : i32 to vector<2048x32xi32>
    %sign3A_97 = arith.cmpi sgt, %iota3A, %sign3A_96 : vector<2048x32xi32>
    %sign3A_98 = arith.extui %sign3A_97 : vector<2048x32xi1> to vector<2048x32xi32>
    %sign3A_99 = arith.constant 0 : i32
    %sign3A_100 = vector.broadcast %sign3A_99 : i32 to vector<2048x32xi32>
    %sign3A_101 = arith.cmpi slt, %iota3A, %sign3A_100 : vector<2048x32xi32>
    %sign3A_102 = arith.extui %sign3A_101 : vector<2048x32xi1> to vector<2048x32xi32>
    %sign3A_103 = arith.subi %sign3A_98, %sign3A_102 : vector<2048x32xi32>
    %sign3A_104 = arith.constant 0 : i32
    %sign3A_105 = arith.cmpi sgt, %jit3A, %sign3A_104 : i32
    %sign3A_106 = arith.extui %sign3A_105 : i1 to i32
    %sign3A_107 = arith.constant 0 : i32
    %sign3A_108 = arith.cmpi slt, %jit3A, %sign3A_107 : i32
    %sign3A_109 = arith.extui %sign3A_108 : i1 to i32
    %sign3A_110 = arith.subi %sign3A_106, %sign3A_109 : i32
    %ne3A = vector.broadcast %sign3A_110 : i32 to vector<2048x32xi32>
    %ne3A_111 = arith.cmpi ne, %sign3A_103, %ne3A : vector<2048x32xi32>
    %rem3A = vector.broadcast %jit3A : i32 to vector<2048x32xi32>
    %rem3A_112 = arith.remsi %iota3A, %rem3A : vector<2048x32xi32>
    %ne3A_113 = arith.constant 0 : i32
    %ne3A_114 = vector.broadcast %ne3A_113 : i32 to vector<2048x32xi32>
    %ne3A_115 = arith.cmpi ne, %rem3A_112, %ne3A_114 : vector<2048x32xi32>
    %and3A = arith.andi %ne3A_111, %ne3A_115 : vector<2048x32xi1>
    %sub3A = arith.constant 1 : i32
    %sub3A_116 = vector.broadcast %sub3A : i32 to vector<2048x32xi32>
    %sub3A_117 = arith.subi %div3A_95, %sub3A_116 : vector<2048x32xi32>
    %select_n3A = arith.select %and3A, %sub3A_117, %div3A_95 : vector<2048x32xi1>, vector<2048x32xi32>
    %iota3A_118 = tpu.iota {dimensions = array<i32: 1>} : vector<2048x32xi32>
    %eq3A = arith.cmpi eq, %select_n3A, %iota3A_118 : vector<2048x32xi32>
    %convert_element_type3A_119 = arith.extui %eq3A : vector<2048x32xi1> to vector<2048x32xi32>
    %convert_element_type3A_120 = arith.sitofp %convert_element_type3A_119 : vector<2048x32xi32> to vector<2048x32xf32>
    %convert_element_type3A_121 = arith.truncf %convert_element_type3A_120 : vector<2048x32xf32> to vector<2048x32xbf16>
    %iota3A_122 = tpu.iota {dimensions = array<i32: 0>} : vector<2048x128xi32>
    %jit3A_123 = arith.constant 64 : i32
    %eq3A_124 = arith.constant 0 : i32
    %eq3A_125 = arith.cmpi eq, %jit3A_123, %eq3A_124 : i32
    %jit3A_126 = arith.constant 1 : i32
    %select_n3A_127 = arith.select %eq3A_125, %jit3A_126, %jit3A_123 : i32
    %rem3A_128 = vector.broadcast %select_n3A_127 : i32 to vector<2048x128xi32>
    %rem3A_129 = arith.remsi %iota3A_122, %rem3A_128 : vector<2048x128xi32>
    %ne3A_130 = arith.constant 0 : i32
    %ne3A_131 = vector.broadcast %ne3A_130 : i32 to vector<2048x128xi32>
    %ne3A_132 = arith.cmpi ne, %rem3A_129, %ne3A_131 : vector<2048x128xi32>
    %lt3A_133 = arith.constant 0 : i32
    %lt3A_134 = vector.broadcast %lt3A_133 : i32 to vector<2048x128xi32>
    %lt3A_135 = arith.cmpi slt, %rem3A_129, %lt3A_134 : vector<2048x128xi32>
    %lt3A_136 = arith.constant 0 : i32
    %lt3A_137 = arith.cmpi slt, %select_n3A_127, %lt3A_136 : i32
    %ne3A_138 = vector.broadcast %lt3A_137 : i1 to vector<2048x128xi1>
    %ne3A_139 = vector.broadcast %ne3A_138 : vector<2048x128xi1> to vector<2048x128xi1>
    %ne3A_140 = arith.xori %lt3A_135, %ne3A_139 : vector<2048x128xi1>
    %and3A_141 = arith.andi %ne3A_140, %ne3A_132 : vector<2048x128xi1>
    %add3A_142 = vector.broadcast %select_n3A_127 : i32 to vector<2048x128xi32>
    %add3A_143 = arith.addi %rem3A_129, %add3A_142 : vector<2048x128xi32>
    %select_n3A_144 = arith.select %and3A_141, %add3A_143, %rem3A_129 : vector<2048x128xi1>, vector<2048x128xi32>
    %iota3A_145 = tpu.iota {dimensions = array<i32: 1>} : vector<2048x128xi32>
    %jit3A_146 = arith.constant 64 : i32
    %eq3A_147 = arith.constant 0 : i32
    %eq3A_148 = arith.cmpi eq, %jit3A_146, %eq3A_147 : i32
    %jit3A_149 = arith.constant 1 : i32
    %select_n3A_150 = arith.select %eq3A_148, %jit3A_149, %jit3A_146 : i32
    %rem3A_151 = vector.broadcast %select_n3A_150 : i32 to vector<2048x128xi32>
    %rem3A_152 = arith.remsi %iota3A_145, %rem3A_151 : vector<2048x128xi32>
    %ne3A_153 = arith.constant 0 : i32
    %ne3A_154 = vector.broadcast %ne3A_153 : i32 to vector<2048x128xi32>
    %ne3A_155 = arith.cmpi ne, %rem3A_152, %ne3A_154 : vector<2048x128xi32>
    %lt3A_156 = arith.constant 0 : i32
    %lt3A_157 = vector.broadcast %lt3A_156 : i32 to vector<2048x128xi32>
    %lt3A_158 = arith.cmpi slt, %rem3A_152, %lt3A_157 : vector<2048x128xi32>
    %lt3A_159 = arith.constant 0 : i32
    %lt3A_160 = arith.cmpi slt, %select_n3A_150, %lt3A_159 : i32
    %ne3A_161 = vector.broadcast %lt3A_160 : i1 to vector<2048x128xi1>
    %ne3A_162 = vector.broadcast %ne3A_161 : vector<2048x128xi1> to vector<2048x128xi1>
    %ne3A_163 = arith.xori %lt3A_158, %ne3A_162 : vector<2048x128xi1>
    %and3A_164 = arith.andi %ne3A_163, %ne3A_155 : vector<2048x128xi1>
    %add3A_165 = vector.broadcast %select_n3A_150 : i32 to vector<2048x128xi32>
    %add3A_166 = arith.addi %rem3A_152, %add3A_165 : vector<2048x128xi32>
    %select_n3A_167 = arith.select %and3A_164, %add3A_166, %rem3A_152 : vector<2048x128xi1>, vector<2048x128xi32>
    %eq3A_168 = arith.cmpi eq, %select_n3A_144, %select_n3A_167 : vector<2048x128xi32>
    %convert_element_type3A_169 = arith.extui %eq3A_168 : vector<2048x128xi1> to vector<2048x128xi32>
    %convert_element_type3A_170 = arith.sitofp %convert_element_type3A_169 : vector<2048x128xi32> to vector<2048x128xf32>
    %iota3A_171 = tpu.iota {dimensions = array<i32: 0>} : vector<128x128xi32>
    %jit3A_172 = arith.constant 64 : i32
    %div3A_173 = vector.broadcast %jit3A_172 : i32 to vector<128x128xi32>
    %div3A_174 = arith.divsi %iota3A_171, %div3A_173 : vector<128x128xi32>
    %sign3A_175 = arith.constant 0 : i32
    %sign3A_176 = vector.broadcast %sign3A_175 : i32 to vector<128x128xi32>
    %sign3A_177 = arith.cmpi sgt, %iota3A_171, %sign3A_176 : vector<128x128xi32>
    %sign3A_178 = arith.extui %sign3A_177 : vector<128x128xi1> to vector<128x128xi32>
    %sign3A_179 = arith.constant 0 : i32
    %sign3A_180 = vector.broadcast %sign3A_179 : i32 to vector<128x128xi32>
    %sign3A_181 = arith.cmpi slt, %iota3A_171, %sign3A_180 : vector<128x128xi32>
    %sign3A_182 = arith.extui %sign3A_181 : vector<128x128xi1> to vector<128x128xi32>
    %sign3A_183 = arith.subi %sign3A_178, %sign3A_182 : vector<128x128xi32>
    %sign3A_184 = arith.constant 0 : i32
    %sign3A_185 = arith.cmpi sgt, %jit3A_172, %sign3A_184 : i32
    %sign3A_186 = arith.extui %sign3A_185 : i1 to i32
    %sign3A_187 = arith.constant 0 : i32
    %sign3A_188 = arith.cmpi slt, %jit3A_172, %sign3A_187 : i32
    %sign3A_189 = arith.extui %sign3A_188 : i1 to i32
    %sign3A_190 = arith.subi %sign3A_186, %sign3A_189 : i32
    %ne3A_191 = vector.broadcast %sign3A_190 : i32 to vector<128x128xi32>
    %ne3A_192 = arith.cmpi ne, %sign3A_183, %ne3A_191 : vector<128x128xi32>
    %rem3A_193 = vector.broadcast %jit3A_172 : i32 to vector<128x128xi32>
    %rem3A_194 = arith.remsi %iota3A_171, %rem3A_193 : vector<128x128xi32>
    %ne3A_195 = arith.constant 0 : i32
    %ne3A_196 = vector.broadcast %ne3A_195 : i32 to vector<128x128xi32>
    %ne3A_197 = arith.cmpi ne, %rem3A_194, %ne3A_196 : vector<128x128xi32>
    %and3A_198 = arith.andi %ne3A_192, %ne3A_197 : vector<128x128xi1>
    %sub3A_199 = arith.constant 1 : i32
    %sub3A_200 = vector.broadcast %sub3A_199 : i32 to vector<128x128xi32>
    %sub3A_201 = arith.subi %div3A_174, %sub3A_200 : vector<128x128xi32>
    %select_n3A_202 = arith.select %and3A_198, %sub3A_201, %div3A_174 : vector<128x128xi1>, vector<128x128xi32>
    %iota3A_203 = tpu.iota {dimensions = array<i32: 1>} : vector<128x128xi32>
    %jit3A_204 = arith.constant 64 : i32
    %div3A_205 = vector.broadcast %jit3A_204 : i32 to vector<128x128xi32>
    %div3A_206 = arith.divsi %iota3A_203, %div3A_205 : vector<128x128xi32>
    %sign3A_207 = arith.constant 0 : i32
    %sign3A_208 = vector.broadcast %sign3A_207 : i32 to vector<128x128xi32>
    %sign3A_209 = arith.cmpi sgt, %iota3A_203, %sign3A_208 : vector<128x128xi32>
    %sign3A_210 = arith.extui %sign3A_209 : vector<128x128xi1> to vector<128x128xi32>
    %sign3A_211 = arith.constant 0 : i32
    %sign3A_212 = vector.broadcast %sign3A_211 : i32 to vector<128x128xi32>
    %sign3A_213 = arith.cmpi slt, %iota3A_203, %sign3A_212 : vector<128x128xi32>
    %sign3A_214 = arith.extui %sign3A_213 : vector<128x128xi1> to vector<128x128xi32>
    %sign3A_215 = arith.subi %sign3A_210, %sign3A_214 : vector<128x128xi32>
    %sign3A_216 = arith.constant 0 : i32
    %sign3A_217 = arith.cmpi sgt, %jit3A_204, %sign3A_216 : i32
    %sign3A_218 = arith.extui %sign3A_217 : i1 to i32
    %sign3A_219 = arith.constant 0 : i32
    %sign3A_220 = arith.cmpi slt, %jit3A_204, %sign3A_219 : i32
    %sign3A_221 = arith.extui %sign3A_220 : i1 to i32
    %sign3A_222 = arith.subi %sign3A_218, %sign3A_221 : i32
    %ne3A_223 = vector.broadcast %sign3A_222 : i32 to vector<128x128xi32>
    %ne3A_224 = arith.cmpi ne, %sign3A_215, %ne3A_223 : vector<128x128xi32>
    %rem3A_225 = vector.broadcast %jit3A_204 : i32 to vector<128x128xi32>
    %rem3A_226 = arith.remsi %iota3A_203, %rem3A_225 : vector<128x128xi32>
    %ne3A_227 = arith.constant 0 : i32
    %ne3A_228 = vector.broadcast %ne3A_227 : i32 to vector<128x128xi32>
    %ne3A_229 = arith.cmpi ne, %rem3A_226, %ne3A_228 : vector<128x128xi32>
    %and3A_230 = arith.andi %ne3A_224, %ne3A_229 : vector<128x128xi1>
    %sub3A_231 = arith.constant 1 : i32
    %sub3A_232 = vector.broadcast %sub3A_231 : i32 to vector<128x128xi32>
    %sub3A_233 = arith.subi %div3A_206, %sub3A_232 : vector<128x128xi32>
    %select_n3A_234 = arith.select %and3A_230, %sub3A_233, %div3A_206 : vector<128x128xi1>, vector<128x128xi32>
    %eq3A_235 = arith.cmpi eq, %select_n3A_202, %select_n3A_234 : vector<128x128xi32>
    %convert_element_type3A_236 = arith.extui %eq3A_235 : vector<128x128xi1> to vector<128x128xi32>
    %convert_element_type3A_237 = arith.sitofp %convert_element_type3A_236 : vector<128x128xi32> to vector<128x128xf32>
    %convert_element_type3A_238 = arith.truncf %convert_element_type3A_237 : vector<128x128xf32> to vector<128x128xbf16>
    %get3A_239 = arith.constant 0 : index
    %get3A_240 = arith.constant 0 : index
    %get3A_241 = arith.constant 0 : index
    %get3A_242 = vector.load %arg9[%get3A_239, %get3A_240, %get3A_241] : memref<1x64x64xi32, #tpu.memory_space<vmem>>, vector<1x32x64xi32>
    %get3A_243 = vector.shape_cast %get3A_242 : vector<1x32x64xi32> to vector<32x64xi32>
    %convert_element_type3A_244 = arith.sitofp %get3A_243 : vector<32x64xi32> to vector<32x64xf32>
    %sub3A_245 = arith.constant 2.560000e+02 : f32
    %sub3A_246 = vector.broadcast %sub3A_245 : f32 to vector<32x64xf32>
    %sub3A_247 = arith.subf %convert_element_type3A_244, %sub3A_246 : vector<32x64xf32>
    %concatenate3A = tpu.concatenate %sub3A_247, %mul3A_94 in 1 : vector<32x64xf32>, vector<32x64xf32> -> vector<32x128xf32>
    %convert_element_type3A_248 = arith.truncf %concatenate3A : vector<32x128xf32> to vector<32x128xbf16>
    %dot_general3A_249 = arith.constant dense<0.000000e+00> : vector<2048x128xf32>
    %dot_general3A_250 = tpu.matmul %convert_element_type3A_121, %convert_element_type3A_248, %dot_general3A_249 {dimension_numbers = #tpu.dot_dimension_numbers<[1], [0], [0], [1], [0, 0, 1, 1], [], []>, transpose_lhs_hint = false} : vector<2048x32xbf16>, vector<32x128xbf16>, vector<2048x128xf32> -> vector<2048x128xf32>
    %mul3A_251 = arith.mulf %dot_general3A_250, %convert_element_type3A_170 : vector<2048x128xf32>
    %convert_element_type3A_252 = arith.truncf %mul3A_251 : vector<2048x128xf32> to vector<2048x128xbf16>
    %dot_general3A_253 = arith.constant dense<0.000000e+00> : vector<2048x128xf32>
    %dot_general3A_254 = tpu.matmul %convert_element_type3A_252, %convert_element_type3A_238, %dot_general3A_253 {dimension_numbers = #tpu.dot_dimension_numbers<[1], [0], [0], [1], [0, 0, 1, 1], [], []>, transpose_lhs_hint = false} : vector<2048x128xbf16>, vector<128x128xbf16>, vector<2048x128xf32> -> vector<2048x128xf32>
    %slice3A = vector.extract_strided_slice %dot_general3A_254 {offsets = [0, 0], sizes = [2048, 64], strides = [1, 1]} : vector<2048x128xf32> to vector<2048x64xf32>
    %slice3A_255 = vector.extract_strided_slice %dot_general3A_254 {offsets = [0, 64], sizes = [2048, 64], strides = [1, 1]} : vector<2048x128xf32> to vector<2048x64xf32>
    %iota3A_256 = tpu.iota {dimensions = array<i32: 1>} : vector<2048x64xi32>
    %convert_element_type3A_257 = arith.sitofp %iota3A_256 : vector<2048x64xi32> to vector<2048x64xf32>
    %sub3A_258 = arith.constant 2.560000e+02 : f32
    %sub3A_259 = vector.broadcast %sub3A_258 : f32 to vector<2048x64xf32>
    %sub3A_260 = arith.subf %convert_element_type3A_257, %sub3A_259 : vector<2048x64xf32>
    %add3A_261 = arith.constant 0.000000e+00 : f32
    %add3A_262 = vector.broadcast %add3A_261 : f32 to vector<2048x64xf32>
    %add3A_263 = arith.addf %sub3A_260, %add3A_262 : vector<2048x64xf32>
    %eq3A_264 = arith.cmpf oeq, %slice3A, %add3A_263 : vector<2048x64xf32>
    %convert_element_type3A_265 = arith.extui %eq3A_264 : vector<2048x64xi1> to vector<2048x64xi32>
    %convert_element_type3A_266 = arith.sitofp %convert_element_type3A_265 : vector<2048x64xi32> to vector<2048x64xf32>
    %convert_element_type3A_267 = arith.truncf %convert_element_type3A_266 : vector<2048x64xf32> to vector<2048x64xbf16>
    %add3A_268 = arith.constant 6.400000e+01 : f32
    %add3A_269 = vector.broadcast %add3A_268 : f32 to vector<2048x64xf32>
    %add3A_270 = arith.addf %sub3A_260, %add3A_269 : vector<2048x64xf32>
    %eq3A_271 = arith.cmpf oeq, %slice3A, %add3A_270 : vector<2048x64xf32>
    %convert_element_type3A_272 = arith.extui %eq3A_271 : vector<2048x64xi1> to vector<2048x64xi32>
    %convert_element_type3A_273 = arith.sitofp %convert_element_type3A_272 : vector<2048x64xi32> to vector<2048x64xf32>
    %convert_element_type3A_274 = arith.truncf %convert_element_type3A_273 : vector<2048x64xf32> to vector<2048x64xbf16>
    %add3A_275 = arith.constant 1.280000e+02 : f32
    %add3A_276 = vector.broadcast %add3A_275 : f32 to vector<2048x64xf32>
    %add3A_277 = arith.addf %sub3A_260, %add3A_276 : vector<2048x64xf32>
    %eq3A_278 = arith.cmpf oeq, %slice3A, %add3A_277 : vector<2048x64xf32>
    %convert_element_type3A_279 = arith.extui %eq3A_278 : vector<2048x64xi1> to vector<2048x64xi32>
    %convert_element_type3A_280 = arith.sitofp %convert_element_type3A_279 : vector<2048x64xi32> to vector<2048x64xf32>
    %convert_element_type3A_281 = arith.truncf %convert_element_type3A_280 : vector<2048x64xf32> to vector<2048x64xbf16>
    %add3A_282 = arith.constant 1.920000e+02 : f32
    %add3A_283 = vector.broadcast %add3A_282 : f32 to vector<2048x64xf32>
    %add3A_284 = arith.addf %sub3A_260, %add3A_283 : vector<2048x64xf32>
    %eq3A_285 = arith.cmpf oeq, %slice3A, %add3A_284 : vector<2048x64xf32>
    %convert_element_type3A_286 = arith.extui %eq3A_285 : vector<2048x64xi1> to vector<2048x64xi32>
    %convert_element_type3A_287 = arith.sitofp %convert_element_type3A_286 : vector<2048x64xi32> to vector<2048x64xf32>
    %convert_element_type3A_288 = arith.truncf %convert_element_type3A_287 : vector<2048x64xf32> to vector<2048x64xbf16>
    %add3A_289 = arith.constant 2.560000e+02 : f32
    %add3A_290 = vector.broadcast %add3A_289 : f32 to vector<2048x64xf32>
    %add3A_291 = arith.addf %sub3A_260, %add3A_290 : vector<2048x64xf32>
    %eq3A_292 = arith.cmpf oeq, %slice3A, %add3A_291 : vector<2048x64xf32>
    %convert_element_type3A_293 = arith.extui %eq3A_292 : vector<2048x64xi1> to vector<2048x64xi32>
    %convert_element_type3A_294 = arith.sitofp %convert_element_type3A_293 : vector<2048x64xi32> to vector<2048x64xf32>
    %convert_element_type3A_295 = arith.truncf %convert_element_type3A_294 : vector<2048x64xf32> to vector<2048x64xbf16>
    %add3A_296 = arith.constant 3.200000e+02 : f32
    %add3A_297 = vector.broadcast %add3A_296 : f32 to vector<2048x64xf32>
    %add3A_298 = arith.addf %sub3A_260, %add3A_297 : vector<2048x64xf32>
    %eq3A_299 = arith.cmpf oeq, %slice3A, %add3A_298 : vector<2048x64xf32>
    %convert_element_type3A_300 = arith.extui %eq3A_299 : vector<2048x64xi1> to vector<2048x64xi32>
    %convert_element_type3A_301 = arith.sitofp %convert_element_type3A_300 : vector<2048x64xi32> to vector<2048x64xf32>
    %convert_element_type3A_302 = arith.truncf %convert_element_type3A_301 : vector<2048x64xf32> to vector<2048x64xbf16>
    %add3A_303 = arith.constant 3.840000e+02 : f32
    %add3A_304 = vector.broadcast %add3A_303 : f32 to vector<2048x64xf32>
    %add3A_305 = arith.addf %sub3A_260, %add3A_304 : vector<2048x64xf32>
    %eq3A_306 = arith.cmpf oeq, %slice3A, %add3A_305 : vector<2048x64xf32>
    %convert_element_type3A_307 = arith.extui %eq3A_306 : vector<2048x64xi1> to vector<2048x64xi32>
    %convert_element_type3A_308 = arith.sitofp %convert_element_type3A_307 : vector<2048x64xi32> to vector<2048x64xf32>
    %convert_element_type3A_309 = arith.truncf %convert_element_type3A_308 : vector<2048x64xf32> to vector<2048x64xbf16>
    %add3A_310 = arith.constant 4.480000e+02 : f32
    %add3A_311 = vector.broadcast %add3A_310 : f32 to vector<2048x64xf32>
    %add3A_312 = arith.addf %sub3A_260, %add3A_311 : vector<2048x64xf32>
    %eq3A_313 = arith.cmpf oeq, %slice3A, %add3A_312 : vector<2048x64xf32>
    %convert_element_type3A_314 = arith.extui %eq3A_313 : vector<2048x64xi1> to vector<2048x64xi32>
    %convert_element_type3A_315 = arith.sitofp %convert_element_type3A_314 : vector<2048x64xi32> to vector<2048x64xf32>
    %convert_element_type3A_316 = arith.truncf %convert_element_type3A_315 : vector<2048x64xf32> to vector<2048x64xbf16>
    %concatenate3A_317 = tpu.concatenate %convert_element_type3A_267, %convert_element_type3A_274, %convert_element_type3A_281, %convert_element_type3A_288, %convert_element_type3A_295, %convert_element_type3A_302, %convert_element_type3A_309, %convert_element_type3A_316 in 1 : vector<2048x64xbf16>, vector<2048x64xbf16>, vector<2048x64xbf16>, vector<2048x64xbf16>, vector<2048x64xbf16>, vector<2048x64xbf16>, vector<2048x64xbf16>, vector<2048x64xbf16> -> vector<2048x512xbf16>
    %dot_general3A_318 = arith.constant dense<0.000000e+00> : vector<2048x64xf32>
    %dot_general3A_319 = tpu.matmul %concatenate3A_317, %convert_element_type3A_9, %dot_general3A_318 {dimension_numbers = #tpu.dot_dimension_numbers<[1], [0], [0], [1], [0, 0, 1, 1], [], []>, transpose_lhs_hint = false} : vector<2048x512xbf16>, vector<512x64xbf16>, vector<2048x64xf32> -> vector<2048x64xf32>
    %mul3A_320 = arith.mulf %dot_general3A_319, %add3A_43 : vector<2048x64xf32>
    %mul3A_321 = arith.mulf %mul3A_320, %slice3A_255 : vector<2048x64xf32>
    %convert_element_type3A_322 = arith.truncf %mul3A_321 : vector<2048x64xf32> to vector<2048x64xbf16>
    %get3A_323 = arith.constant 0 : index
    %get3A_324 = arith.constant 0 : index
    %get3A_325 = vector.load %arg15[%get3A_323, %get3A_324] : memref<64x64xf32, #tpu.memory_space<vmem>>, vector<64x64xf32>
    %convert_element_type3A_326 = arith.truncf %get3A_325 : vector<64x64xf32> to vector<64x64xbf16>
    %dot_general3A_327 = arith.constant dense<0.000000e+00> : vector<2048x64xf32>
    %dot_general3A_328 = tpu.matmul %convert_element_type3A_322, %convert_element_type3A_326, %dot_general3A_327 {dimension_numbers = #tpu.dot_dimension_numbers<[1], [0], [0], [1], [0, 0, 1, 1], [], []>, transpose_lhs_hint = false} : vector<2048x64xbf16>, vector<64x64xbf16>, vector<2048x64xf32> -> vector<2048x64xf32>
    %get3A_329 = arith.constant 0 : index
    %get3A_330 = arith.constant 0 : index
    %get3A_331 = vector.load %arg16[%get3A_329, %get3A_330] : memref<1x64xf32, #tpu.memory_space<vmem>>, vector<1x64xf32>
    %add3A_332 = vector.broadcast %get3A_331 : vector<1x64xf32> to vector<2048x64xf32>
    %add3A_333 = arith.addf %dot_general3A_328, %add3A_332 : vector<2048x64xf32>
    %exp3A_334 = math.exp %add3A_333 : vector<2048x64xf32>
    %mul3A_335 = arith.constant 5.000000e-01 : f32
    %mul3A_336 = vector.broadcast %mul3A_335 : f32 to vector<2048x64xf32>
    %mul3A_337 = arith.mulf %mul3A_336, %exp3A_334 : vector<2048x64xf32>
    %add3A_338 = arith.constant 5.000000e-01 : f32
    %add3A_339 = vector.broadcast %add3A_338 : f32 to vector<2048x64xf32>
    %add3A_340 = arith.addf %add3A_339, %mul3A_337 : vector<2048x64xf32>
    %log3A_341 = math.log %add3A_340 : vector<2048x64xf32>
    %convert_element_type3A_342 = arith.truncf %log3A_341 : vector<2048x64xf32> to vector<2048x64xbf16>
    %get3A_343 = arith.constant 0 : index
    %get3A_344 = arith.constant 0 : index
    %get3A_345 = vector.load %arg21[%get3A_343, %get3A_344] : memref<64x128xf32, #tpu.memory_space<vmem>>, vector<64x128xf32>
    %convert_element_type3A_346 = arith.truncf %get3A_345 : vector<64x128xf32> to vector<64x128xbf16>
    %dot_general3A_347 = arith.constant dense<0.000000e+00> : vector<2048x128xf32>
    %dot_general3A_348 = tpu.matmul %convert_element_type3A_342, %convert_element_type3A_346, %dot_general3A_347 {dimension_numbers = #tpu.dot_dimension_numbers<[1], [0], [0], [1], [0, 0, 1, 1], [], []>, transpose_lhs_hint = false} : vector<2048x64xbf16>, vector<64x128xbf16>, vector<2048x128xf32> -> vector<2048x128xf32>
    %get3A_349 = arith.constant 0 : index
    %get3A_350 = arith.constant 0 : index
    %get3A_351 = vector.load %arg22[%get3A_349, %get3A_350] : memref<1x128xf32, #tpu.memory_space<vmem>>, vector<1x128xf32>
    %add3A_352 = vector.broadcast %get3A_351 : vector<1x128xf32> to vector<2048x128xf32>
    %add3A_353 = arith.addf %dot_general3A_348, %add3A_352 : vector<2048x128xf32>
    %exp3A_354 = math.exp %add3A_353 : vector<2048x128xf32>
    %mul3A_355 = arith.constant 5.000000e-01 : f32
    %mul3A_356 = vector.broadcast %mul3A_355 : f32 to vector<2048x128xf32>
    %mul3A_357 = arith.mulf %mul3A_356, %exp3A_354 : vector<2048x128xf32>
    %add3A_358 = arith.constant 5.000000e-01 : f32
    %add3A_359 = vector.broadcast %add3A_358 : f32 to vector<2048x128xf32>
    %add3A_360 = arith.addf %add3A_359, %mul3A_357 : vector<2048x128xf32>
    %log3A_361 = math.log %add3A_360 : vector<2048x128xf32>
    %convert_element_type3A_362 = arith.truncf %log3A_361 : vector<2048x128xf32> to vector<2048x128xbf16>
    %get3A_363 = arith.constant 0 : index
    %get3A_364 = arith.constant 0 : index
    %get3A_365 = vector.load %arg23[%get3A_363, %get3A_364] : memref<128x128xf32, #tpu.memory_space<vmem>>, vector<128x128xf32>
    %convert_element_type3A_366 = arith.truncf %get3A_365 : vector<128x128xf32> to vector<128x128xbf16>
    %dot_general3A_367 = arith.constant dense<0.000000e+00> : vector<2048x128xf32>
    %dot_general3A_368 = tpu.matmul %convert_element_type3A_362, %convert_element_type3A_366, %dot_general3A_367 {dimension_numbers = #tpu.dot_dimension_numbers<[1], [0], [0], [1], [0, 0, 1, 1], [], []>, transpose_lhs_hint = false} : vector<2048x128xbf16>, vector<128x128xbf16>, vector<2048x128xf32> -> vector<2048x128xf32>
    %get3A_369 = arith.constant 0 : index
    %get3A_370 = arith.constant 0 : index
    %get3A_371 = vector.load %arg24[%get3A_369, %get3A_370] : memref<1x128xf32, #tpu.memory_space<vmem>>, vector<1x128xf32>
    %add3A_372 = vector.broadcast %get3A_371 : vector<1x128xf32> to vector<2048x128xf32>
    %add3A_373 = arith.addf %dot_general3A_368, %add3A_372 : vector<2048x128xf32>
    %slice3A_374 = vector.extract_strided_slice %add3A_373 {offsets = [0, 0], sizes = [2048, 64], strides = [1, 1]} : vector<2048x128xf32> to vector<2048x64xf32>
    %slice3A_375 = vector.extract_strided_slice %add3A_373 {offsets = [0, 64], sizes = [2048, 64], strides = [1, 1]} : vector<2048x128xf32> to vector<2048x64xf32>
    %convert_element_type3A_376 = arith.truncf %slice3A_374 : vector<2048x64xf32> to vector<2048x64xbf16>
    %swap3A = arith.constant 0 : index
    %swap3A_377 = arith.constant 0 : index
    %swap3A_378 = arith.constant 0 : index
    %swap3A_379 = vector.load %arg26[%swap3A, %swap3A_377, %swap3A_378] : memref<1x4096x64xbf16, #tpu.memory_space<vmem>>, vector<1x2048x64xbf16>
    %swap3A_380 = vector.shape_cast %swap3A_379 : vector<1x2048x64xbf16> to vector<2048x64xbf16>
    %swap3A_381 = vector.shape_cast %convert_element_type3A_376 : vector<2048x64xbf16> to vector<1x2048x64xbf16>
    tpu.vector_store %arg26[%swap3A, %swap3A_377, %swap3A_378], %swap3A_381 {strides = array<i32>} : memref<1x4096x64xbf16, #tpu.memory_space<vmem>>, vector<1x2048x64xbf16>,
    %iota3A_382 = tpu.iota {dimensions = array<i32: 0>} : vector<32x2048xi32>
    %iota3A_383 = tpu.iota {dimensions = array<i32: 1>} : vector<32x2048xi32>
    %jit3A_384 = arith.constant 64 : i32
    %div3A_385 = vector.broadcast %jit3A_384 : i32 to vector<32x2048xi32>
    %div3A_386 = arith.divsi %iota3A_383, %div3A_385 : vector<32x2048xi32>
    %sign3A_387 = arith.constant 0 : i32
    %sign3A_388 = vector.broadcast %sign3A_387 : i32 to vector<32x2048xi32>
    %sign3A_389 = arith.cmpi sgt, %iota3A_383, %sign3A_388 : vector<32x2048xi32>
    %sign3A_390 = arith.extui %sign3A_389 : vector<32x2048xi1> to vector<32x2048xi32>
    %sign3A_391 = arith.constant 0 : i32
    %sign3A_392 = vector.broadcast %sign3A_391 : i32 to vector<32x2048xi32>
    %sign3A_393 = arith.cmpi slt, %iota3A_383, %sign3A_392 : vector<32x2048xi32>
    %sign3A_394 = arith.extui %sign3A_393 : vector<32x2048xi1> to vector<32x2048xi32>
    %sign3A_395 = arith.subi %sign3A_390, %sign3A_394 : vector<32x2048xi32>
    %sign3A_396 = arith.constant 0 : i32
    %sign3A_397 = arith.cmpi sgt, %jit3A_384, %sign3A_396 : i32
    %sign3A_398 = arith.extui %sign3A_397 : i1 to i32
    %sign3A_399 = arith.constant 0 : i32
    %sign3A_400 = arith.cmpi slt, %jit3A_384, %sign3A_399 : i32
    %sign3A_401 = arith.extui %sign3A_400 : i1 to i32
    %sign3A_402 = arith.subi %sign3A_398, %sign3A_401 : i32
    %ne3A_403 = vector.broadcast %sign3A_402 : i32 to vector<32x2048xi32>
    %ne3A_404 = arith.cmpi ne, %sign3A_395, %ne3A_403 : vector<32x2048xi32>
    %rem3A_405 = vector.broadcast %jit3A_384 : i32 to vector<32x2048xi32>
    %rem3A_406 = arith.remsi %iota3A_383, %rem3A_405 : vector<32x2048xi32>
    %ne3A_407 = arith.constant 0 : i32
    %ne3A_408 = vector.broadcast %ne3A_407 : i32 to vector<32x2048xi32>
    %ne3A_409 = arith.cmpi ne, %rem3A_406, %ne3A_408 : vector<32x2048xi32>
    %and3A_410 = arith.andi %ne3A_404, %ne3A_409 : vector<32x2048xi1>
    %sub3A_411 = arith.constant 1 : i32
    %sub3A_412 = vector.broadcast %sub3A_411 : i32 to vector<32x2048xi32>
    %sub3A_413 = arith.subi %div3A_386, %sub3A_412 : vector<32x2048xi32>
    %select_n3A_414 = arith.select %and3A_410, %sub3A_413, %div3A_386 : vector<32x2048xi1>, vector<32x2048xi32>
    %eq3A_415 = arith.cmpi eq, %iota3A_382, %select_n3A_414 : vector<32x2048xi32>
    %convert_element_type3A_416 = arith.extui %eq3A_415 : vector<32x2048xi1> to vector<32x2048xi32>
    %convert_element_type3A_417 = arith.sitofp %convert_element_type3A_416 : vector<32x2048xi32> to vector<32x2048xf32>
    %get3A_418 = arith.constant 0 : index
    %get3A_419 = arith.constant 0 : index
    %get3A_420 = arith.constant 0 : index
    %get3A_421 = vector.load %arg5[%get3A_418, %get3A_419, %get3A_420] : memref<1x64x64xf32, #tpu.memory_space<vmem>>, vector<1x32x64xf32>
    %get3A_422 = vector.shape_cast %get3A_421 : vector<1x32x64xf32> to vector<32x64xf32>
    %tile3A = tpu.concatenate %get3A_422, %get3A_422, %get3A_422, %get3A_422, %get3A_422, %get3A_422, %get3A_422, %get3A_422, %get3A_422, %get3A_422, %get3A_422, %get3A_422, %get3A_422, %get3A_422, %get3A_422, %get3A_422, %get3A_422, %get3A_422, %get3A_422, %get3A_422, %get3A_422, %get3A_422, %get3A_422, %get3A_422, %get3A_422, %get3A_422, %get3A_422, %get3A_422, %get3A_422, %get3A_422, %get3A_422, %get3A_422 in 1 : vector<32x64xf32>, vector<32x64xf32>, vector<32x64xf32>, vector<32x64xf32>, vector<32x64xf32>, vector<32x64xf32>, vector<32x64xf32>, vector<32x64xf32>, vector<32x64xf32>, vector<32x64xf32>, vector<32x64xf32>, vector<32x64xf32>, vector<32x64xf32>, vector<32x64xf32>, vector<32x64xf32>, vector<32x64xf32>, vector<32x64xf32>, vector<32x64xf32>, vector<32x64xf32>, vector<32x64xf32>, vector<32x64xf32>, vector<32x64xf32>, vector<32x64xf32>, vector<32x64xf32>, vector<32x64xf32>, vector<32x64xf32>, vector<32x64xf32>, vector<32x64xf32>, vector<32x64xf32>, vector<32x64xf32>, vector<32x64xf32>, vector<32x64xf32> -> vector<32x2048xf32>
    %mul3A_423 = arith.mulf %convert_element_type3A_417, %tile3A : vector<32x2048xf32>
    %convert_element_type3A_424 = arith.truncf %mul3A_423 : vector<32x2048xf32> to vector<32x2048xbf16>
    %dot_general3A_425 = arith.constant dense<0.000000e+00> : vector<32x64xf32>
    %dot_general3A_426 = tpu.matmul %convert_element_type3A_424, %convert_element_type3A_342, %dot_general3A_425 {dimension_numbers = #tpu.dot_dimension_numbers<[1], [0], [0], [1], [0, 0, 1, 1], [], []>, transpose_lhs_hint = false} : vector<32x2048xbf16>, vector<2048x64xbf16>, vector<32x64xf32> -> vector<32x64xf32>
    %convert_element_type3A_427 = arith.truncf %dot_general3A_426 : vector<32x64xf32> to vector<32x64xbf16>
    %get3A_428 = arith.constant 0 : index
    %get3A_429 = arith.constant 0 : index
    %get3A_430 = vector.load %arg17[%get3A_428, %get3A_429] : memref<64x64xf32, #tpu.memory_space<vmem>>, vector<64x64xf32>
    %convert_element_type3A_431 = arith.truncf %get3A_430 : vector<64x64xf32> to vector<64x64xbf16>
    %dot_general3A_432 = arith.constant dense<0.000000e+00> : vector<32x64xf32>
    %dot_general3A_433 = tpu.matmul %convert_element_type3A_427, %convert_element_type3A_431, %dot_general3A_432 {dimension_numbers = #tpu.dot_dimension_numbers<[1], [0], [0], [1], [0, 0, 1, 1], [], []>, transpose_lhs_hint = false} : vector<32x64xbf16>, vector<64x64xbf16>, vector<32x64xf32> -> vector<32x64xf32>
    %get3A_434 = arith.constant 0 : index
    %get3A_435 = arith.constant 0 : index
    %get3A_436 = vector.load %arg18[%get3A_434, %get3A_435] : memref<1x64xf32, #tpu.memory_space<vmem>>, vector<1x64xf32>
    %add3A_437 = vector.broadcast %get3A_436 : vector<1x64xf32> to vector<32x64xf32>
    %add3A_438 = arith.addf %dot_general3A_433, %add3A_437 : vector<32x64xf32>
    %max3A = arith.constant 0.000000e+00 : f32
    %max3A_439 = vector.broadcast %max3A : f32 to vector<32x64xf32>
    %max3A_440 = arith.maximumf %add3A_438, %max3A_439 : vector<32x64xf32>
    %abs3A = math.absf %add3A_438 : vector<32x64xf32>
    %neg3A = arith.constant 0.000000e+00 : f32
    %neg3A_441 = vector.broadcast %neg3A : f32 to vector<32x64xf32>
    %neg3A_442 = arith.subf %neg3A_441, %abs3A : vector<32x64xf32>
    %exp3A_443 = math.exp %neg3A_442 : vector<32x64xf32>
    %add3A_444 = arith.constant 1.000000e+00 : f32
    %add3A_445 = vector.broadcast %add3A_444 : f32 to vector<32x64xf32>
    %add3A_446 = arith.addf %add3A_445, %exp3A_443 : vector<32x64xf32>
    %log3A_447 = math.log %add3A_446 : vector<32x64xf32>
    %add3A_448 = arith.addf %max3A_440, %log3A_447 : vector<32x64xf32>
    %sub3A_449 = arith.constant 0.693147182 : f32
    %sub3A_450 = vector.broadcast %sub3A_449 : f32 to vector<32x64xf32>
    %sub3A_451 = arith.subf %add3A_448, %sub3A_450 : vector<32x64xf32>
    %convert_element_type3A_452 = arith.truncf %sub3A_451 : vector<32x64xf32> to vector<32x64xbf16>
    %get3A_453 = arith.constant 0 : index
    %get3A_454 = arith.constant 0 : index
    %get3A_455 = vector.load %arg19[%get3A_453, %get3A_454] : memref<64x64xf32, #tpu.memory_space<vmem>>, vector<64x64xf32>
    %convert_element_type3A_456 = arith.truncf %get3A_455 : vector<64x64xf32> to vector<64x64xbf16>
    %dot_general3A_457 = arith.constant dense<0.000000e+00> : vector<32x64xf32>
    %dot_general3A_458 = tpu.matmul %convert_element_type3A_452, %convert_element_type3A_456, %dot_general3A_457 {dimension_numbers = #tpu.dot_dimension_numbers<[1], [0], [0], [1], [0, 0, 1, 1], [], []>, transpose_lhs_hint = false} : vector<32x64xbf16>, vector<64x64xbf16>, vector<32x64xf32> -> vector<32x64xf32>
    %get3A_459 = arith.constant 0 : index
    %get3A_460 = arith.constant 0 : index
    %get3A_461 = vector.load %arg20[%get3A_459, %get3A_460] : memref<1x64xf32, #tpu.memory_space<vmem>>, vector<1x64xf32>
    %add3A_462 = vector.broadcast %get3A_461 : vector<1x64xf32> to vector<32x64xf32>
    %add3A_463 = arith.addf %dot_general3A_458, %add3A_462 : vector<32x64xf32>
    %swap3A_464 = arith.constant 0 : index
    %swap3A_465 = arith.constant 0 : index
    %swap3A_466 = arith.constant 0 : index
    %swap3A_467 = vector.load %arg25[%swap3A_464, %swap3A_465, %swap3A_466] : memref<1x64x64xf32, #tpu.memory_space<vmem>>, vector<1x32x64xf32>
    %swap3A_468 = vector.shape_cast %swap3A_467 : vector<1x32x64xf32> to vector<32x64xf32>
    %swap3A_469 = vector.shape_cast %add3A_463 : vector<32x64xf32> to vector<1x32x64xf32>
    tpu.vector_store %arg25[%swap3A_464, %swap3A_465, %swap3A_466], %swap3A_469 {strides = array<i32>} : memref<1x64x64xf32, #tpu.memory_space<vmem>>, vector<1x32x64xf32>,
    %convert_element_type3A_470 = arith.truncf %slice3A_375 : vector<2048x64xf32> to vector<2048x64xbf16>
    %get3A_471 = arith.constant 0 : index
    %get3A_472 = arith.constant 0 : index
    %get3A_473 = arith.constant 0 : index
    %get3A_474 = vector.load %arg6[%get3A_471, %get3A_472, %get3A_473] : memref<1x64x64xf32, #tpu.memory_space<vmem>>, vector<1x32x64xf32>
    %get3A_475 = vector.shape_cast %get3A_474 : vector<1x32x64xf32> to vector<32x64xf32>
    %mul3A_476 = arith.mulf %get3A_422, %get3A_475 : vector<32x64xf32>
    %tile3A_477 = tpu.concatenate %mul3A_476, %mul3A_476, %mul3A_476, %mul3A_476, %mul3A_476, %mul3A_476, %mul3A_476, %mul3A_476, %mul3A_476, %mul3A_476, %mul3A_476, %mul3A_476, %mul3A_476, %mul3A_476, %mul3A_476, %mul3A_476, %mul3A_476, %mul3A_476, %mul3A_476, %mul3A_476, %mul3A_476, %mul3A_476, %mul3A_476, %mul3A_476, %mul3A_476, %mul3A_476, %mul3A_476, %mul3A_476, %mul3A_476, %mul3A_476, %mul3A_476, %mul3A_476 in 1 : vector<32x64xf32>, vector<32x64xf32>, vector<32x64xf32>, vector<32x64xf32>, vector<32x64xf32>, vector<32x64xf32>, vector<32x64xf32>, vector<32x64xf32>, vector<32x64xf32>, vector<32x64xf32>, vector<32x64xf32>, vector<32x64xf32>, vector<32x64xf32>, vector<32x64xf32>, vector<32x64xf32>, vector<32x64xf32>, vector<32x64xf32>, vector<32x64xf32>, vector<32x64xf32>, vector<32x64xf32>, vector<32x64xf32>, vector<32x64xf32>, vector<32x64xf32>, vector<32x64xf32>, vector<32x64xf32>, vector<32x64xf32>, vector<32x64xf32>, vector<32x64xf32>, vector<32x64xf32>, vector<32x64xf32>, vector<32x64xf32>, vector<32x64xf32> -> vector<32x2048xf32>
    %mul3A_478 = arith.mulf %convert_element_type3A_417, %tile3A_477 : vector<32x2048xf32>
    %convert_element_type3A_479 = arith.truncf %mul3A_478 : vector<32x2048xf32> to vector<32x2048xbf16>
    %dot_general3A_480 = arith.constant dense<0.000000e+00> : vector<32x64xf32>
    %dot_general3A_481 = tpu.matmul %convert_element_type3A_479, %convert_element_type3A_470, %dot_general3A_480 {dimension_numbers = #tpu.dot_dimension_numbers<[1], [0], [0], [1], [0, 0, 1, 1], [], []>, transpose_lhs_hint = false} : vector<32x2048xbf16>, vector<2048x64xbf16>, vector<32x64xf32> -> vector<32x64xf32>
    %get3A_482 = arith.constant 0 : index
    %get3A_483 = arith.constant 0 : index
    %get3A_484 = arith.constant 0 : index
    %get3A_485 = vector.load %arg7[%get3A_482, %get3A_483, %get3A_484] : memref<1x64x64xf32, #tpu.memory_space<vmem>>, vector<1x32x64xf32>
    %get3A_486 = vector.shape_cast %get3A_485 : vector<1x32x64xf32> to vector<32x64xf32>
    %mul3A_487 = arith.mulf %get3A_422, %get3A_486 : vector<32x64xf32>
    %tile3A_488 = tpu.concatenate %mul3A_487, %mul3A_487, %mul3A_487, %mul3A_487, %mul3A_487, %mul3A_487, %mul3A_487, %mul3A_487, %mul3A_487, %mul3A_487, %mul3A_487, %mul3A_487, %mul3A_487, %mul3A_487, %mul3A_487, %mul3A_487, %mul3A_487, %mul3A_487, %mul3A_487, %mul3A_487, %mul3A_487, %mul3A_487, %mul3A_487, %mul3A_487, %mul3A_487, %mul3A_487, %mul3A_487, %mul3A_487, %mul3A_487, %mul3A_487, %mul3A_487, %mul3A_487 in 1 : vector<32x64xf32>, vector<32x64xf32>, vector<32x64xf32>, vector<32x64xf32>, vector<32x64xf32>, vector<32x64xf32>, vector<32x64xf32>, vector<32x64xf32>, vector<32x64xf32>, vector<32x64xf32>, vector<32x64xf32>, vector<32x64xf32>, vector<32x64xf32>, vector<32x64xf32>, vector<32x64xf32>, vector<32x64xf32>, vector<32x64xf32>, vector<32x64xf32>, vector<32x64xf32>, vector<32x64xf32>, vector<32x64xf32>, vector<32x64xf32>, vector<32x64xf32>, vector<32x64xf32>, vector<32x64xf32>, vector<32x64xf32>, vector<32x64xf32>, vector<32x64xf32>, vector<32x64xf32>, vector<32x64xf32>, vector<32x64xf32>, vector<32x64xf32> -> vector<32x2048xf32>
    %mul3A_489 = arith.mulf %convert_element_type3A_417, %tile3A_488 : vector<32x2048xf32>
    %convert_element_type3A_490 = arith.truncf %mul3A_489 : vector<32x2048xf32> to vector<32x2048xbf16>
    %dot_general3A_491 = arith.constant dense<0.000000e+00> : vector<32x64xf32>
    %dot_general3A_492 = tpu.matmul %convert_element_type3A_490, %convert_element_type3A_470, %dot_general3A_491 {dimension_numbers = #tpu.dot_dimension_numbers<[1], [0], [0], [1], [0, 0, 1, 1], [], []>, transpose_lhs_hint = false} : vector<32x2048xbf16>, vector<2048x64xbf16>, vector<32x64xf32> -> vector<32x64xf32>
    %get3A_493 = arith.constant 0 : index
    %get3A_494 = arith.constant 0 : index
    %get3A_495 = arith.constant 0 : index
    %get3A_496 = vector.load %arg8[%get3A_493, %get3A_494, %get3A_495] : memref<1x64x64xf32, #tpu.memory_space<vmem>>, vector<1x32x64xf32>
    %get3A_497 = vector.shape_cast %get3A_496 : vector<1x32x64xf32> to vector<32x64xf32>
    %mul3A_498 = arith.mulf %get3A_422, %get3A_497 : vector<32x64xf32>
    %tile3A_499 = tpu.concatenate %mul3A_498, %mul3A_498, %mul3A_498, %mul3A_498, %mul3A_498, %mul3A_498, %mul3A_498, %mul3A_498, %mul3A_498, %mul3A_498, %mul3A_498, %mul3A_498, %mul3A_498, %mul3A_498, %mul3A_498, %mul3A_498, %mul3A_498, %mul3A_498, %mul3A_498, %mul3A_498, %mul3A_498, %mul3A_498, %mul3A_498, %mul3A_498, %mul3A_498, %mul3A_498, %mul3A_498, %mul3A_498, %mul3A_498, %mul3A_498, %mul3A_498, %mul3A_498 in 1 : vector<32x64xf32>, vector<32x64xf32>, vector<32x64xf32>, vector<32x64xf32>, vector<32x64xf32>, vector<32x64xf32>, vector<32x64xf32>, vector<32x64xf32>, vector<32x64xf32>, vector<32x64xf32>, vector<32x64xf32>, vector<32x64xf32>, vector<32x64xf32>, vector<32x64xf32>, vector<32x64xf32>, vector<32x64xf32>, vector<32x64xf32>, vector<32x64xf32>, vector<32x64xf32>, vector<32x64xf32>, vector<32x64xf32>, vector<32x64xf32>, vector<32x64xf32>, vector<32x64xf32>, vector<32x64xf32>, vector<32x64xf32>, vector<32x64xf32>, vector<32x64xf32>, vector<32x64xf32>, vector<32x64xf32>, vector<32x64xf32>, vector<32x64xf32> -> vector<32x2048xf32>
    %mul3A_500 = arith.mulf %convert_element_type3A_417, %tile3A_499 : vector<32x2048xf32>
    %convert_element_type3A_501 = arith.truncf %mul3A_500 : vector<32x2048xf32> to vector<32x2048xbf16>
    %dot_general3A_502 = arith.constant dense<0.000000e+00> : vector<32x64xf32>
    %dot_general3A_503 = tpu.matmul %convert_element_type3A_501, %convert_element_type3A_470, %dot_general3A_502 {dimension_numbers = #tpu.dot_dimension_numbers<[1], [0], [0], [1], [0, 0, 1, 1], [], []>, transpose_lhs_hint = false} : vector<32x2048xbf16>, vector<2048x64xbf16>, vector<32x64xf32> -> vector<32x64xf32>
    %concatenate3A_504 = tpu.concatenate %dot_general3A_481, %dot_general3A_492, %dot_general3A_503 in 1 : vector<32x64xf32>, vector<32x64xf32>, vector<32x64xf32> -> vector<32x192xf32>
    %swap3A_505 = arith.constant 0 : index
    %swap3A_506 = arith.constant 0 : index
    %swap3A_507 = arith.constant 0 : index
    %swap3A_508 = vector.load %arg27[%swap3A_505, %swap3A_506, %swap3A_507] : memref<1x64x192xf32, #tpu.memory_space<vmem>>, vector<1x32x192xf32>
    %swap3A_509 = vector.shape_cast %swap3A_508 : vector<1x32x192xf32> to vector<32x192xf32>
    %swap3A_510 = vector.shape_cast %concatenate3A_504 : vector<32x192xf32> to vector<1x32x192xf32>
    tpu.vector_store %arg27[%swap3A_505, %swap3A_506, %swap3A_507], %swap3A_510 {strides = array<i32>} : memref<1x64x192xf32, #tpu.memory_space<vmem>>, vector<1x32x192xf32>,
    %get3A_511 = arith.constant 0 : index
    %get3A_512 = arith.constant 32 : index
    %get3A_513 = arith.constant 0 : index
    %get3A_514 = arith.constant 0 : index
    %get3A_515 = vector.load %arg3[%get3A_511, %get3A_512, %get3A_513, %get3A_514] : memref<1x64x64x50xf32, #tpu.memory_space<vmem>>, vector<1x32x64x50xf32>
    %get3A_516 = vector.shape_cast %get3A_515 : vector<1x32x64x50xf32> to vector<32x64x50xf32>
    %reshape3A_517 = vector.shape_cast %get3A_516 : vector<32x64x50xf32> to vector<2048x50xf32>
    %convert_element_type3A_518 = arith.truncf %reshape3A_517 : vector<2048x50xf32> to vector<2048x50xbf16>
    %get3A_519 = arith.constant 0 : index
    %get3A_520 = arith.constant 0 : index
    %get3A_521 = vector.load %arg10[%get3A_519, %get3A_520] : memref<50x64xf32, #tpu.memory_space<vmem>>, vector<50x64xf32>
    %convert_element_type3A_522 = arith.truncf %get3A_521 : vector<50x64xf32> to vector<50x64xbf16>
    %dot_general3A_523 = arith.constant dense<0.000000e+00> : vector<2048x64xf32>
    %dot_general3A_524 = tpu.matmul %convert_element_type3A_518, %convert_element_type3A_522, %dot_general3A_523 {dimension_numbers = #tpu.dot_dimension_numbers<[1], [0], [0], [1], [0, 0, 1, 1], [], []>, transpose_lhs_hint = false} : vector<2048x50xbf16>, vector<50x64xbf16>, vector<2048x64xf32> -> vector<2048x64xf32>
    %get3A_525 = arith.constant 0 : index
    %get3A_526 = arith.constant 0 : index
    %get3A_527 = vector.load %arg11[%get3A_525, %get3A_526] : memref<1x64xf32, #tpu.memory_space<vmem>>, vector<1x64xf32>
    %add3A_528 = vector.broadcast %get3A_527 : vector<1x64xf32> to vector<2048x64xf32>
    %add3A_529 = arith.addf %dot_general3A_524, %add3A_528 : vector<2048x64xf32>
    %exp3A_530 = math.exp %add3A_529 : vector<2048x64xf32>
    %mul3A_531 = arith.constant 5.000000e-01 : f32
    %mul3A_532 = vector.broadcast %mul3A_531 : f32 to vector<2048x64xf32>
    %mul3A_533 = arith.mulf %mul3A_532, %exp3A_530 : vector<2048x64xf32>
    %add3A_534 = arith.constant 5.000000e-01 : f32
    %add3A_535 = vector.broadcast %add3A_534 : f32 to vector<2048x64xf32>
    %add3A_536 = arith.addf %add3A_535, %mul3A_533 : vector<2048x64xf32>
    %log3A_537 = math.log %add3A_536 : vector<2048x64xf32>
    %convert_element_type3A_538 = arith.truncf %log3A_537 : vector<2048x64xf32> to vector<2048x64xbf16>
    %get3A_539 = arith.constant 0 : index
    %get3A_540 = arith.constant 0 : index
    %get3A_541 = vector.load %arg12[%get3A_539, %get3A_540] : memref<64x64xf32, #tpu.memory_space<vmem>>, vector<64x64xf32>
    %convert_element_type3A_542 = arith.truncf %get3A_541 : vector<64x64xf32> to vector<64x64xbf16>
    %dot_general3A_543 = arith.constant dense<0.000000e+00> : vector<2048x64xf32>
    %dot_general3A_544 = tpu.matmul %convert_element_type3A_538, %convert_element_type3A_542, %dot_general3A_543 {dimension_numbers = #tpu.dot_dimension_numbers<[1], [0], [0], [1], [0, 0, 1, 1], [], []>, transpose_lhs_hint = false} : vector<2048x64xbf16>, vector<64x64xbf16>, vector<2048x64xf32> -> vector<2048x64xf32>
    %get3A_545 = arith.constant 0 : index
    %get3A_546 = arith.constant 0 : index
    %get3A_547 = vector.load %arg13[%get3A_545, %get3A_546] : memref<1x64xf32, #tpu.memory_space<vmem>>, vector<1x64xf32>
    %add3A_548 = vector.broadcast %get3A_547 : vector<1x64xf32> to vector<2048x64xf32>
    %add3A_549 = arith.addf %dot_general3A_544, %add3A_548 : vector<2048x64xf32>
    %get3A_550 = arith.constant 0 : index
    %get3A_551 = arith.constant 32 : index
    %get3A_552 = arith.constant 0 : index
    %get3A_553 = vector.load %arg4[%get3A_550, %get3A_551, %get3A_552] : memref<1x64x64xf32, #tpu.memory_space<vmem>>, vector<1x32x64xf32>
    %get3A_554 = vector.shape_cast %get3A_553 : vector<1x32x64xf32> to vector<32x64xf32>
    %mul3A_555 = arith.constant 0.628318548 : f32
    %mul3A_556 = vector.broadcast %mul3A_555 : f32 to vector<32x64xf32>
    %mul3A_557 = arith.mulf %get3A_554, %mul3A_556 : vector<32x64xf32>
    %min3A_558 = arith.constant 3.14159274 : f32
    %min3A_559 = vector.broadcast %min3A_558 : f32 to vector<32x64xf32>
    %min3A_560 = arith.minimumf %mul3A_557, %min3A_559 : vector<32x64xf32>
    %mul3A_561 = arith.mulf %min3A_560, %min3A_560 : vector<32x64xf32>
    %broadcast_in_dim3A_562 = arith.constant -1.14707454E-11 : f32
    %broadcast_in_dim3A_563 = vector.broadcast %broadcast_in_dim3A_562 : f32 to vector<32x64xf32>
    %mul3A_564 = arith.mulf %broadcast_in_dim3A_563, %mul3A_561 : vector<32x64xf32>
    %add3A_565 = arith.constant 2.08767559E-9 : f32
    %add3A_566 = vector.broadcast %add3A_565 : f32 to vector<32x64xf32>
    %add3A_567 = arith.addf %mul3A_564, %add3A_566 : vector<32x64xf32>
    %mul3A_568 = arith.mulf %add3A_567, %mul3A_561 : vector<32x64xf32>
    %add3A_569 = arith.constant -2.755732E-7 : f32
    %add3A_570 = vector.broadcast %add3A_569 : f32 to vector<32x64xf32>
    %add3A_571 = arith.addf %mul3A_568, %add3A_570 : vector<32x64xf32>
    %mul3A_572 = arith.mulf %add3A_571, %mul3A_561 : vector<32x64xf32>
    %add3A_573 = arith.constant 2.48015876E-5 : f32
    %add3A_574 = vector.broadcast %add3A_573 : f32 to vector<32x64xf32>
    %add3A_575 = arith.addf %mul3A_572, %add3A_574 : vector<32x64xf32>
    %mul3A_576 = arith.mulf %add3A_575, %mul3A_561 : vector<32x64xf32>
    %add3A_577 = arith.constant -0.00138888892 : f32
    %add3A_578 = vector.broadcast %add3A_577 : f32 to vector<32x64xf32>
    %add3A_579 = arith.addf %mul3A_576, %add3A_578 : vector<32x64xf32>
    %mul3A_580 = arith.mulf %add3A_579, %mul3A_561 : vector<32x64xf32>
    %add3A_581 = arith.constant 0.0416666679 : f32
    %add3A_582 = vector.broadcast %add3A_581 : f32 to vector<32x64xf32>
    %add3A_583 = arith.addf %mul3A_580, %add3A_582 : vector<32x64xf32>
    %mul3A_584 = arith.mulf %add3A_583, %mul3A_561 : vector<32x64xf32>
    %add3A_585 = arith.constant -5.000000e-01 : f32
    %add3A_586 = vector.broadcast %add3A_585 : f32 to vector<32x64xf32>
    %add3A_587 = arith.addf %mul3A_584, %add3A_586 : vector<32x64xf32>
    %mul3A_588 = arith.mulf %add3A_587, %mul3A_561 : vector<32x64xf32>
    %add3A_589 = arith.constant 1.000000e+00 : f32
    %add3A_590 = vector.broadcast %add3A_589 : f32 to vector<32x64xf32>
    %add3A_591 = arith.addf %mul3A_588, %add3A_590 : vector<32x64xf32>
    %add3A_592 = arith.constant 1.000000e+00 : f32
    %add3A_593 = vector.broadcast %add3A_592 : f32 to vector<32x64xf32>
    %add3A_594 = arith.addf %add3A_591, %add3A_593 : vector<32x64xf32>
    %mul3A_595 = arith.constant 5.000000e-01 : f32
    %mul3A_596 = vector.broadcast %mul3A_595 : f32 to vector<32x64xf32>
    %mul3A_597 = arith.mulf %mul3A_596, %add3A_594 : vector<32x64xf32>
    %lt3A_598 = arith.constant 5.000000e+00 : f32
    %lt3A_599 = vector.broadcast %lt3A_598 : f32 to vector<32x64xf32>
    %lt3A_600 = arith.cmpf olt, %get3A_554, %lt3A_599 : vector<32x64xf32>
    %convert_element_type3A_601 = arith.extui %lt3A_600 : vector<32x64xi1> to vector<32x64xi32>
    %convert_element_type3A_602 = arith.sitofp %convert_element_type3A_601 : vector<32x64xi32> to vector<32x64xf32>
    %mul3A_603 = arith.mulf %mul3A_597, %convert_element_type3A_602 : vector<32x64xf32>
    %iota3A_604 = tpu.iota {dimensions = array<i32: 0>} : vector<2048x32xi32>
    %jit3A_605 = arith.constant 64 : i32
    %div3A_606 = vector.broadcast %jit3A_605 : i32 to vector<2048x32xi32>
    %div3A_607 = arith.divsi %iota3A_604, %div3A_606 : vector<2048x32xi32>
    %sign3A_608 = arith.constant 0 : i32
    %sign3A_609 = vector.broadcast %sign3A_608 : i32 to vector<2048x32xi32>
    %sign3A_610 = arith.cmpi sgt, %iota3A_604, %sign3A_609 : vector<2048x32xi32>
    %sign3A_611 = arith.extui %sign3A_610 : vector<2048x32xi1> to vector<2048x32xi32>
    %sign3A_612 = arith.constant 0 : i32
    %sign3A_613 = vector.broadcast %sign3A_612 : i32 to vector<2048x32xi32>
    %sign3A_614 = arith.cmpi slt, %iota3A_604, %sign3A_613 : vector<2048x32xi32>
    %sign3A_615 = arith.extui %sign3A_614 : vector<2048x32xi1> to vector<2048x32xi32>
    %sign3A_616 = arith.subi %sign3A_611, %sign3A_615 : vector<2048x32xi32>
    %sign3A_617 = arith.constant 0 : i32
    %sign3A_618 = arith.cmpi sgt, %jit3A_605, %sign3A_617 : i32
    %sign3A_619 = arith.extui %sign3A_618 : i1 to i32
    %sign3A_620 = arith.constant 0 : i32
    %sign3A_621 = arith.cmpi slt, %jit3A_605, %sign3A_620 : i32
    %sign3A_622 = arith.extui %sign3A_621 : i1 to i32
    %sign3A_623 = arith.subi %sign3A_619, %sign3A_622 : i32
    %ne3A_624 = vector.broadcast %sign3A_623 : i32 to vector<2048x32xi32>
    %ne3A_625 = arith.cmpi ne, %sign3A_616, %ne3A_624 : vector<2048x32xi32>
    %rem3A_626 = vector.broadcast %jit3A_605 : i32 to vector<2048x32xi32>
    %rem3A_627 = arith.remsi %iota3A_604, %rem3A_626 : vector<2048x32xi32>
    %ne3A_628 = arith.constant 0 : i32
    %ne3A_629 = vector.broadcast %ne3A_628 : i32 to vector<2048x32xi32>
    %ne3A_630 = arith.cmpi ne, %rem3A_627, %ne3A_629 : vector<2048x32xi32>
    %and3A_631 = arith.andi %ne3A_625, %ne3A_630 : vector<2048x32xi1>
    %sub3A_632 = arith.constant 1 : i32
    %sub3A_633 = vector.broadcast %sub3A_632 : i32 to vector<2048x32xi32>
    %sub3A_634 = arith.subi %div3A_607, %sub3A_633 : vector<2048x32xi32>
    %select_n3A_635 = arith.select %and3A_631, %sub3A_634, %div3A_607 : vector<2048x32xi1>, vector<2048x32xi32>
    %iota3A_636 = tpu.iota {dimensions = array<i32: 1>} : vector<2048x32xi32>
    %eq3A_637 = arith.cmpi eq, %select_n3A_635, %iota3A_636 : vector<2048x32xi32>
    %convert_element_type3A_638 = arith.extui %eq3A_637 : vector<2048x32xi1> to vector<2048x32xi32>
    %convert_element_type3A_639 = arith.sitofp %convert_element_type3A_638 : vector<2048x32xi32> to vector<2048x32xf32>
    %convert_element_type3A_640 = arith.truncf %convert_element_type3A_639 : vector<2048x32xf32> to vector<2048x32xbf16>
    %iota3A_641 = tpu.iota {dimensions = array<i32: 0>} : vector<2048x128xi32>
    %jit3A_642 = arith.constant 64 : i32
    %eq3A_643 = arith.constant 0 : i32
    %eq3A_644 = arith.cmpi eq, %jit3A_642, %eq3A_643 : i32
    %jit3A_645 = arith.constant 1 : i32
    %select_n3A_646 = arith.select %eq3A_644, %jit3A_645, %jit3A_642 : i32
    %rem3A_647 = vector.broadcast %select_n3A_646 : i32 to vector<2048x128xi32>
    %rem3A_648 = arith.remsi %iota3A_641, %rem3A_647 : vector<2048x128xi32>
    %ne3A_649 = arith.constant 0 : i32
    %ne3A_650 = vector.broadcast %ne3A_649 : i32 to vector<2048x128xi32>
    %ne3A_651 = arith.cmpi ne, %rem3A_648, %ne3A_650 : vector<2048x128xi32>
    %lt3A_652 = arith.constant 0 : i32
    %lt3A_653 = vector.broadcast %lt3A_652 : i32 to vector<2048x128xi32>
    %lt3A_654 = arith.cmpi slt, %rem3A_648, %lt3A_653 : vector<2048x128xi32>
    %lt3A_655 = arith.constant 0 : i32
    %lt3A_656 = arith.cmpi slt, %select_n3A_646, %lt3A_655 : i32
    %ne3A_657 = vector.broadcast %lt3A_656 : i1 to vector<2048x128xi1>
    %ne3A_658 = vector.broadcast %ne3A_657 : vector<2048x128xi1> to vector<2048x128xi1>
    %ne3A_659 = arith.xori %lt3A_654, %ne3A_658 : vector<2048x128xi1>
    %and3A_660 = arith.andi %ne3A_659, %ne3A_651 : vector<2048x128xi1>
    %add3A_661 = vector.broadcast %select_n3A_646 : i32 to vector<2048x128xi32>
    %add3A_662 = arith.addi %rem3A_648, %add3A_661 : vector<2048x128xi32>
    %select_n3A_663 = arith.select %and3A_660, %add3A_662, %rem3A_648 : vector<2048x128xi1>, vector<2048x128xi32>
    %iota3A_664 = tpu.iota {dimensions = array<i32: 1>} : vector<2048x128xi32>
    %jit3A_665 = arith.constant 64 : i32
    %eq3A_666 = arith.constant 0 : i32
    %eq3A_667 = arith.cmpi eq, %jit3A_665, %eq3A_666 : i32
    %jit3A_668 = arith.constant 1 : i32
    %select_n3A_669 = arith.select %eq3A_667, %jit3A_668, %jit3A_665 : i32
    %rem3A_670 = vector.broadcast %select_n3A_669 : i32 to vector<2048x128xi32>
    %rem3A_671 = arith.remsi %iota3A_664, %rem3A_670 : vector<2048x128xi32>
    %ne3A_672 = arith.constant 0 : i32
    %ne3A_673 = vector.broadcast %ne3A_672 : i32 to vector<2048x128xi32>
    %ne3A_674 = arith.cmpi ne, %rem3A_671, %ne3A_673 : vector<2048x128xi32>
    %lt3A_675 = arith.constant 0 : i32
    %lt3A_676 = vector.broadcast %lt3A_675 : i32 to vector<2048x128xi32>
    %lt3A_677 = arith.cmpi slt, %rem3A_671, %lt3A_676 : vector<2048x128xi32>
    %lt3A_678 = arith.constant 0 : i32
    %lt3A_679 = arith.cmpi slt, %select_n3A_669, %lt3A_678 : i32
    %ne3A_680 = vector.broadcast %lt3A_679 : i1 to vector<2048x128xi1>
    %ne3A_681 = vector.broadcast %ne3A_680 : vector<2048x128xi1> to vector<2048x128xi1>
    %ne3A_682 = arith.xori %lt3A_677, %ne3A_681 : vector<2048x128xi1>
    %and3A_683 = arith.andi %ne3A_682, %ne3A_674 : vector<2048x128xi1>
    %add3A_684 = vector.broadcast %select_n3A_669 : i32 to vector<2048x128xi32>
    %add3A_685 = arith.addi %rem3A_671, %add3A_684 : vector<2048x128xi32>
    %select_n3A_686 = arith.select %and3A_683, %add3A_685, %rem3A_671 : vector<2048x128xi1>, vector<2048x128xi32>
    %eq3A_687 = arith.cmpi eq, %select_n3A_663, %select_n3A_686 : vector<2048x128xi32>
    %convert_element_type3A_688 = arith.extui %eq3A_687 : vector<2048x128xi1> to vector<2048x128xi32>
    %convert_element_type3A_689 = arith.sitofp %convert_element_type3A_688 : vector<2048x128xi32> to vector<2048x128xf32>
    %iota3A_690 = tpu.iota {dimensions = array<i32: 0>} : vector<128x128xi32>
    %jit3A_691 = arith.constant 64 : i32
    %div3A_692 = vector.broadcast %jit3A_691 : i32 to vector<128x128xi32>
    %div3A_693 = arith.divsi %iota3A_690, %div3A_692 : vector<128x128xi32>
    %sign3A_694 = arith.constant 0 : i32
    %sign3A_695 = vector.broadcast %sign3A_694 : i32 to vector<128x128xi32>
    %sign3A_696 = arith.cmpi sgt, %iota3A_690, %sign3A_695 : vector<128x128xi32>
    %sign3A_697 = arith.extui %sign3A_696 : vector<128x128xi1> to vector<128x128xi32>
    %sign3A_698 = arith.constant 0 : i32
    %sign3A_699 = vector.broadcast %sign3A_698 : i32 to vector<128x128xi32>
    %sign3A_700 = arith.cmpi slt, %iota3A_690, %sign3A_699 : vector<128x128xi32>
    %sign3A_701 = arith.extui %sign3A_700 : vector<128x128xi1> to vector<128x128xi32>
    %sign3A_702 = arith.subi %sign3A_697, %sign3A_701 : vector<128x128xi32>
    %sign3A_703 = arith.constant 0 : i32
    %sign3A_704 = arith.cmpi sgt, %jit3A_691, %sign3A_703 : i32
    %sign3A_705 = arith.extui %sign3A_704 : i1 to i32
    %sign3A_706 = arith.constant 0 : i32
    %sign3A_707 = arith.cmpi slt, %jit3A_691, %sign3A_706 : i32
    %sign3A_708 = arith.extui %sign3A_707 : i1 to i32
    %sign3A_709 = arith.subi %sign3A_705, %sign3A_708 : i32
    %ne3A_710 = vector.broadcast %sign3A_709 : i32 to vector<128x128xi32>
    %ne3A_711 = arith.cmpi ne, %sign3A_702, %ne3A_710 : vector<128x128xi32>
    %rem3A_712 = vector.broadcast %jit3A_691 : i32 to vector<128x128xi32>
    %rem3A_713 = arith.remsi %iota3A_690, %rem3A_712 : vector<128x128xi32>
    %ne3A_714 = arith.constant 0 : i32
    %ne3A_715 = vector.broadcast %ne3A_714 : i32 to vector<128x128xi32>
    %ne3A_716 = arith.cmpi ne, %rem3A_713, %ne3A_715 : vector<128x128xi32>
    %and3A_717 = arith.andi %ne3A_711, %ne3A_716 : vector<128x128xi1>
    %sub3A_718 = arith.constant 1 : i32
    %sub3A_719 = vector.broadcast %sub3A_718 : i32 to vector<128x128xi32>
    %sub3A_720 = arith.subi %div3A_693, %sub3A_719 : vector<128x128xi32>
    %select_n3A_721 = arith.select %and3A_717, %sub3A_720, %div3A_693 : vector<128x128xi1>, vector<128x128xi32>
    %iota3A_722 = tpu.iota {dimensions = array<i32: 1>} : vector<128x128xi32>
    %jit3A_723 = arith.constant 64 : i32
    %div3A_724 = vector.broadcast %jit3A_723 : i32 to vector<128x128xi32>
    %div3A_725 = arith.divsi %iota3A_722, %div3A_724 : vector<128x128xi32>
    %sign3A_726 = arith.constant 0 : i32
    %sign3A_727 = vector.broadcast %sign3A_726 : i32 to vector<128x128xi32>
    %sign3A_728 = arith.cmpi sgt, %iota3A_722, %sign3A_727 : vector<128x128xi32>
    %sign3A_729 = arith.extui %sign3A_728 : vector<128x128xi1> to vector<128x128xi32>
    %sign3A_730 = arith.constant 0 : i32
    %sign3A_731 = vector.broadcast %sign3A_730 : i32 to vector<128x128xi32>
    %sign3A_732 = arith.cmpi slt, %iota3A_722, %sign3A_731 : vector<128x128xi32>
    %sign3A_733 = arith.extui %sign3A_732 : vector<128x128xi1> to vector<128x128xi32>
    %sign3A_734 = arith.subi %sign3A_729, %sign3A_733 : vector<128x128xi32>
    %sign3A_735 = arith.constant 0 : i32
    %sign3A_736 = arith.cmpi sgt, %jit3A_723, %sign3A_735 : i32
    %sign3A_737 = arith.extui %sign3A_736 : i1 to i32
    %sign3A_738 = arith.constant 0 : i32
    %sign3A_739 = arith.cmpi slt, %jit3A_723, %sign3A_738 : i32
    %sign3A_740 = arith.extui %sign3A_739 : i1 to i32
    %sign3A_741 = arith.subi %sign3A_737, %sign3A_740 : i32
    %ne3A_742 = vector.broadcast %sign3A_741 : i32 to vector<128x128xi32>
    %ne3A_743 = arith.cmpi ne, %sign3A_734, %ne3A_742 : vector<128x128xi32>
    %rem3A_744 = vector.broadcast %jit3A_723 : i32 to vector<128x128xi32>
    %rem3A_745 = arith.remsi %iota3A_722, %rem3A_744 : vector<128x128xi32>
    %ne3A_746 = arith.constant 0 : i32
    %ne3A_747 = vector.broadcast %ne3A_746 : i32 to vector<128x128xi32>
    %ne3A_748 = arith.cmpi ne, %rem3A_745, %ne3A_747 : vector<128x128xi32>
    %and3A_749 = arith.andi %ne3A_743, %ne3A_748 : vector<128x128xi1>
    %sub3A_750 = arith.constant 1 : i32
    %sub3A_751 = vector.broadcast %sub3A_750 : i32 to vector<128x128xi32>
    %sub3A_752 = arith.subi %div3A_725, %sub3A_751 : vector<128x128xi32>
    %select_n3A_753 = arith.select %and3A_749, %sub3A_752, %div3A_725 : vector<128x128xi1>, vector<128x128xi32>
    %eq3A_754 = arith.cmpi eq, %select_n3A_721, %select_n3A_753 : vector<128x128xi32>
    %convert_element_type3A_755 = arith.extui %eq3A_754 : vector<128x128xi1> to vector<128x128xi32>
    %convert_element_type3A_756 = arith.sitofp %convert_element_type3A_755 : vector<128x128xi32> to vector<128x128xf32>
    %convert_element_type3A_757 = arith.truncf %convert_element_type3A_756 : vector<128x128xf32> to vector<128x128xbf16>
    %get3A_758 = arith.constant 0 : index
    %get3A_759 = arith.constant 32 : index
    %get3A_760 = arith.constant 0 : index
    %get3A_761 = vector.load %arg9[%get3A_758, %get3A_759, %get3A_760] : memref<1x64x64xi32, #tpu.memory_space<vmem>>, vector<1x32x64xi32>
    %get3A_762 = vector.shape_cast %get3A_761 : vector<1x32x64xi32> to vector<32x64xi32>
    %convert_element_type3A_763 = arith.sitofp %get3A_762 : vector<32x64xi32> to vector<32x64xf32>
    %sub3A_764 = arith.constant 2.560000e+02 : f32
    %sub3A_765 = vector.broadcast %sub3A_764 : f32 to vector<32x64xf32>
    %sub3A_766 = arith.subf %convert_element_type3A_763, %sub3A_765 : vector<32x64xf32>
    %concatenate3A_767 = tpu.concatenate %sub3A_766, %mul3A_603 in 1 : vector<32x64xf32>, vector<32x64xf32> -> vector<32x128xf32>
    %convert_element_type3A_768 = arith.truncf %concatenate3A_767 : vector<32x128xf32> to vector<32x128xbf16>
    %dot_general3A_769 = arith.constant dense<0.000000e+00> : vector<2048x128xf32>
    %dot_general3A_770 = tpu.matmul %convert_element_type3A_640, %convert_element_type3A_768, %dot_general3A_769 {dimension_numbers = #tpu.dot_dimension_numbers<[1], [0], [0], [1], [0, 0, 1, 1], [], []>, transpose_lhs_hint = false} : vector<2048x32xbf16>, vector<32x128xbf16>, vector<2048x128xf32> -> vector<2048x128xf32>
    %mul3A_771 = arith.mulf %dot_general3A_770, %convert_element_type3A_689 : vector<2048x128xf32>
    %convert_element_type3A_772 = arith.truncf %mul3A_771 : vector<2048x128xf32> to vector<2048x128xbf16>
    %dot_general3A_773 = arith.constant dense<0.000000e+00> : vector<2048x128xf32>
    %dot_general3A_774 = tpu.matmul %convert_element_type3A_772, %convert_element_type3A_757, %dot_general3A_773 {dimension_numbers = #tpu.dot_dimension_numbers<[1], [0], [0], [1], [0, 0, 1, 1], [], []>, transpose_lhs_hint = false} : vector<2048x128xbf16>, vector<128x128xbf16>, vector<2048x128xf32> -> vector<2048x128xf32>
    %slice3A_775 = vector.extract_strided_slice %dot_general3A_774 {offsets = [0, 0], sizes = [2048, 64], strides = [1, 1]} : vector<2048x128xf32> to vector<2048x64xf32>
    %slice3A_776 = vector.extract_strided_slice %dot_general3A_774 {offsets = [0, 64], sizes = [2048, 64], strides = [1, 1]} : vector<2048x128xf32> to vector<2048x64xf32>
    %iota3A_777 = tpu.iota {dimensions = array<i32: 1>} : vector<2048x64xi32>
    %convert_element_type3A_778 = arith.sitofp %iota3A_777 : vector<2048x64xi32> to vector<2048x64xf32>
    %sub3A_779 = arith.constant 2.560000e+02 : f32
    %sub3A_780 = vector.broadcast %sub3A_779 : f32 to vector<2048x64xf32>
    %sub3A_781 = arith.subf %convert_element_type3A_778, %sub3A_780 : vector<2048x64xf32>
    %add3A_782 = arith.constant 0.000000e+00 : f32
    %add3A_783 = vector.broadcast %add3A_782 : f32 to vector<2048x64xf32>
    %add3A_784 = arith.addf %sub3A_781, %add3A_783 : vector<2048x64xf32>
    %eq3A_785 = arith.cmpf oeq, %slice3A_775, %add3A_784 : vector<2048x64xf32>
    %convert_element_type3A_786 = arith.extui %eq3A_785 : vector<2048x64xi1> to vector<2048x64xi32>
    %convert_element_type3A_787 = arith.sitofp %convert_element_type3A_786 : vector<2048x64xi32> to vector<2048x64xf32>
    %convert_element_type3A_788 = arith.truncf %convert_element_type3A_787 : vector<2048x64xf32> to vector<2048x64xbf16>
    %add3A_789 = arith.constant 6.400000e+01 : f32
    %add3A_790 = vector.broadcast %add3A_789 : f32 to vector<2048x64xf32>
    %add3A_791 = arith.addf %sub3A_781, %add3A_790 : vector<2048x64xf32>
    %eq3A_792 = arith.cmpf oeq, %slice3A_775, %add3A_791 : vector<2048x64xf32>
    %convert_element_type3A_793 = arith.extui %eq3A_792 : vector<2048x64xi1> to vector<2048x64xi32>
    %convert_element_type3A_794 = arith.sitofp %convert_element_type3A_793 : vector<2048x64xi32> to vector<2048x64xf32>
    %convert_element_type3A_795 = arith.truncf %convert_element_type3A_794 : vector<2048x64xf32> to vector<2048x64xbf16>
    %add3A_796 = arith.constant 1.280000e+02 : f32
    %add3A_797 = vector.broadcast %add3A_796 : f32 to vector<2048x64xf32>
    %add3A_798 = arith.addf %sub3A_781, %add3A_797 : vector<2048x64xf32>
    %eq3A_799 = arith.cmpf oeq, %slice3A_775, %add3A_798 : vector<2048x64xf32>
    %convert_element_type3A_800 = arith.extui %eq3A_799 : vector<2048x64xi1> to vector<2048x64xi32>
    %convert_element_type3A_801 = arith.sitofp %convert_element_type3A_800 : vector<2048x64xi32> to vector<2048x64xf32>
    %convert_element_type3A_802 = arith.truncf %convert_element_type3A_801 : vector<2048x64xf32> to vector<2048x64xbf16>
    %add3A_803 = arith.constant 1.920000e+02 : f32
    %add3A_804 = vector.broadcast %add3A_803 : f32 to vector<2048x64xf32>
    %add3A_805 = arith.addf %sub3A_781, %add3A_804 : vector<2048x64xf32>
    %eq3A_806 = arith.cmpf oeq, %slice3A_775, %add3A_805 : vector<2048x64xf32>
    %convert_element_type3A_807 = arith.extui %eq3A_806 : vector<2048x64xi1> to vector<2048x64xi32>
    %convert_element_type3A_808 = arith.sitofp %convert_element_type3A_807 : vector<2048x64xi32> to vector<2048x64xf32>
    %convert_element_type3A_809 = arith.truncf %convert_element_type3A_808 : vector<2048x64xf32> to vector<2048x64xbf16>
    %add3A_810 = arith.constant 2.560000e+02 : f32
    %add3A_811 = vector.broadcast %add3A_810 : f32 to vector<2048x64xf32>
    %add3A_812 = arith.addf %sub3A_781, %add3A_811 : vector<2048x64xf32>
    %eq3A_813 = arith.cmpf oeq, %slice3A_775, %add3A_812 : vector<2048x64xf32>
    %convert_element_type3A_814 = arith.extui %eq3A_813 : vector<2048x64xi1> to vector<2048x64xi32>
    %convert_element_type3A_815 = arith.sitofp %convert_element_type3A_814 : vector<2048x64xi32> to vector<2048x64xf32>
    %convert_element_type3A_816 = arith.truncf %convert_element_type3A_815 : vector<2048x64xf32> to vector<2048x64xbf16>
    %add3A_817 = arith.constant 3.200000e+02 : f32
    %add3A_818 = vector.broadcast %add3A_817 : f32 to vector<2048x64xf32>
    %add3A_819 = arith.addf %sub3A_781, %add3A_818 : vector<2048x64xf32>
    %eq3A_820 = arith.cmpf oeq, %slice3A_775, %add3A_819 : vector<2048x64xf32>
    %convert_element_type3A_821 = arith.extui %eq3A_820 : vector<2048x64xi1> to vector<2048x64xi32>
    %convert_element_type3A_822 = arith.sitofp %convert_element_type3A_821 : vector<2048x64xi32> to vector<2048x64xf32>
    %convert_element_type3A_823 = arith.truncf %convert_element_type3A_822 : vector<2048x64xf32> to vector<2048x64xbf16>
    %add3A_824 = arith.constant 3.840000e+02 : f32
    %add3A_825 = vector.broadcast %add3A_824 : f32 to vector<2048x64xf32>
    %add3A_826 = arith.addf %sub3A_781, %add3A_825 : vector<2048x64xf32>
    %eq3A_827 = arith.cmpf oeq, %slice3A_775, %add3A_826 : vector<2048x64xf32>
    %convert_element_type3A_828 = arith.extui %eq3A_827 : vector<2048x64xi1> to vector<2048x64xi32>
    %convert_element_type3A_829 = arith.sitofp %convert_element_type3A_828 : vector<2048x64xi32> to vector<2048x64xf32>
    %convert_element_type3A_830 = arith.truncf %convert_element_type3A_829 : vector<2048x64xf32> to vector<2048x64xbf16>
    %add3A_831 = arith.constant 4.480000e+02 : f32
    %add3A_832 = vector.broadcast %add3A_831 : f32 to vector<2048x64xf32>
    %add3A_833 = arith.addf %sub3A_781, %add3A_832 : vector<2048x64xf32>
    %eq3A_834 = arith.cmpf oeq, %slice3A_775, %add3A_833 : vector<2048x64xf32>
    %convert_element_type3A_835 = arith.extui %eq3A_834 : vector<2048x64xi1> to vector<2048x64xi32>
    %convert_element_type3A_836 = arith.sitofp %convert_element_type3A_835 : vector<2048x64xi32> to vector<2048x64xf32>
    %convert_element_type3A_837 = arith.truncf %convert_element_type3A_836 : vector<2048x64xf32> to vector<2048x64xbf16>
    %concatenate3A_838 = tpu.concatenate %convert_element_type3A_788, %convert_element_type3A_795, %convert_element_type3A_802, %convert_element_type3A_809, %convert_element_type3A_816, %convert_element_type3A_823, %convert_element_type3A_830, %convert_element_type3A_837 in 1 : vector<2048x64xbf16>, vector<2048x64xbf16>, vector<2048x64xbf16>, vector<2048x64xbf16>, vector<2048x64xbf16>, vector<2048x64xbf16>, vector<2048x64xbf16>, vector<2048x64xbf16> -> vector<2048x512xbf16>
    %dot_general3A_839 = arith.constant dense<0.000000e+00> : vector<2048x64xf32>
    %dot_general3A_840 = tpu.matmul %concatenate3A_838, %convert_element_type3A_9, %dot_general3A_839 {dimension_numbers = #tpu.dot_dimension_numbers<[1], [0], [0], [1], [0, 0, 1, 1], [], []>, transpose_lhs_hint = false} : vector<2048x512xbf16>, vector<512x64xbf16>, vector<2048x64xf32> -> vector<2048x64xf32>
    %mul3A_841 = arith.mulf %dot_general3A_840, %add3A_549 : vector<2048x64xf32>
    %mul3A_842 = arith.mulf %mul3A_841, %slice3A_776 : vector<2048x64xf32>
    %convert_element_type3A_843 = arith.truncf %mul3A_842 : vector<2048x64xf32> to vector<2048x64xbf16>
    %get3A_844 = arith.constant 0 : index
    %get3A_845 = arith.constant 0 : index
    %get3A_846 = vector.load %arg15[%get3A_844, %get3A_845] : memref<64x64xf32, #tpu.memory_space<vmem>>, vector<64x64xf32>
    %convert_element_type3A_847 = arith.truncf %get3A_846 : vector<64x64xf32> to vector<64x64xbf16>
    %dot_general3A_848 = arith.constant dense<0.000000e+00> : vector<2048x64xf32>
    %dot_general3A_849 = tpu.matmul %convert_element_type3A_843, %convert_element_type3A_847, %dot_general3A_848 {dimension_numbers = #tpu.dot_dimension_numbers<[1], [0], [0], [1], [0, 0, 1, 1], [], []>, transpose_lhs_hint = false} : vector<2048x64xbf16>, vector<64x64xbf16>, vector<2048x64xf32> -> vector<2048x64xf32>
    %get3A_850 = arith.constant 0 : index
    %get3A_851 = arith.constant 0 : index
    %get3A_852 = vector.load %arg16[%get3A_850, %get3A_851] : memref<1x64xf32, #tpu.memory_space<vmem>>, vector<1x64xf32>
    %add3A_853 = vector.broadcast %get3A_852 : vector<1x64xf32> to vector<2048x64xf32>
    %add3A_854 = arith.addf %dot_general3A_849, %add3A_853 : vector<2048x64xf32>
    %exp3A_855 = math.exp %add3A_854 : vector<2048x64xf32>
    %mul3A_856 = arith.constant 5.000000e-01 : f32
    %mul3A_857 = vector.broadcast %mul3A_856 : f32 to vector<2048x64xf32>
    %mul3A_858 = arith.mulf %mul3A_857, %exp3A_855 : vector<2048x64xf32>
    %add3A_859 = arith.constant 5.000000e-01 : f32
    %add3A_860 = vector.broadcast %add3A_859 : f32 to vector<2048x64xf32>
    %add3A_861 = arith.addf %add3A_860, %mul3A_858 : vector<2048x64xf32>
    %log3A_862 = math.log %add3A_861 : vector<2048x64xf32>
    %convert_element_type3A_863 = arith.truncf %log3A_862 : vector<2048x64xf32> to vector<2048x64xbf16>
    %get3A_864 = arith.constant 0 : index
    %get3A_865 = arith.constant 0 : index
    %get3A_866 = vector.load %arg21[%get3A_864, %get3A_865] : memref<64x128xf32, #tpu.memory_space<vmem>>, vector<64x128xf32>
    %convert_element_type3A_867 = arith.truncf %get3A_866 : vector<64x128xf32> to vector<64x128xbf16>
    %dot_general3A_868 = arith.constant dense<0.000000e+00> : vector<2048x128xf32>
    %dot_general3A_869 = tpu.matmul %convert_element_type3A_863, %convert_element_type3A_867, %dot_general3A_868 {dimension_numbers = #tpu.dot_dimension_numbers<[1], [0], [0], [1], [0, 0, 1, 1], [], []>, transpose_lhs_hint = false} : vector<2048x64xbf16>, vector<64x128xbf16>, vector<2048x128xf32> -> vector<2048x128xf32>
    %get3A_870 = arith.constant 0 : index
    %get3A_871 = arith.constant 0 : index
    %get3A_872 = vector.load %arg22[%get3A_870, %get3A_871] : memref<1x128xf32, #tpu.memory_space<vmem>>, vector<1x128xf32>
    %add3A_873 = vector.broadcast %get3A_872 : vector<1x128xf32> to vector<2048x128xf32>
    %add3A_874 = arith.addf %dot_general3A_869, %add3A_873 : vector<2048x128xf32>
    %exp3A_875 = math.exp %add3A_874 : vector<2048x128xf32>
    %mul3A_876 = arith.constant 5.000000e-01 : f32
    %mul3A_877 = vector.broadcast %mul3A_876 : f32 to vector<2048x128xf32>
    %mul3A_878 = arith.mulf %mul3A_877, %exp3A_875 : vector<2048x128xf32>
    %add3A_879 = arith.constant 5.000000e-01 : f32
    %add3A_880 = vector.broadcast %add3A_879 : f32 to vector<2048x128xf32>
    %add3A_881 = arith.addf %add3A_880, %mul3A_878 : vector<2048x128xf32>
    %log3A_882 = math.log %add3A_881 : vector<2048x128xf32>
    %convert_element_type3A_883 = arith.truncf %log3A_882 : vector<2048x128xf32> to vector<2048x128xbf16>
    %get3A_884 = arith.constant 0 : index
    %get3A_885 = arith.constant 0 : index
    %get3A_886 = vector.load %arg23[%get3A_884, %get3A_885] : memref<128x128xf32, #tpu.memory_space<vmem>>, vector<128x128xf32>
    %convert_element_type3A_887 = arith.truncf %get3A_886 : vector<128x128xf32> to vector<128x128xbf16>
    %dot_general3A_888 = arith.constant dense<0.000000e+00> : vector<2048x128xf32>
    %dot_general3A_889 = tpu.matmul %convert_element_type3A_883, %convert_element_type3A_887, %dot_general3A_888 {dimension_numbers = #tpu.dot_dimension_numbers<[1], [0], [0], [1], [0, 0, 1, 1], [], []>, transpose_lhs_hint = false} : vector<2048x128xbf16>, vector<128x128xbf16>, vector<2048x128xf32> -> vector<2048x128xf32>
    %get3A_890 = arith.constant 0 : index
    %get3A_891 = arith.constant 0 : index
    %get3A_892 = vector.load %arg24[%get3A_890, %get3A_891] : memref<1x128xf32, #tpu.memory_space<vmem>>, vector<1x128xf32>
    %add3A_893 = vector.broadcast %get3A_892 : vector<1x128xf32> to vector<2048x128xf32>
    %add3A_894 = arith.addf %dot_general3A_889, %add3A_893 : vector<2048x128xf32>
    %slice3A_895 = vector.extract_strided_slice %add3A_894 {offsets = [0, 0], sizes = [2048, 64], strides = [1, 1]} : vector<2048x128xf32> to vector<2048x64xf32>
    %slice3A_896 = vector.extract_strided_slice %add3A_894 {offsets = [0, 64], sizes = [2048, 64], strides = [1, 1]} : vector<2048x128xf32> to vector<2048x64xf32>
    %convert_element_type3A_897 = arith.truncf %slice3A_895 : vector<2048x64xf32> to vector<2048x64xbf16>
    %swap3A_898 = arith.constant 0 : index
    %swap3A_899 = arith.constant 2048 : index
    %swap3A_900 = arith.constant 0 : index
    %swap3A_901 = vector.load %arg26[%swap3A_898, %swap3A_899, %swap3A_900] : memref<1x4096x64xbf16, #tpu.memory_space<vmem>>, vector<1x2048x64xbf16>
    %swap3A_902 = vector.shape_cast %swap3A_901 : vector<1x2048x64xbf16> to vector<2048x64xbf16>
    %swap3A_903 = vector.shape_cast %convert_element_type3A_897 : vector<2048x64xbf16> to vector<1x2048x64xbf16>
    tpu.vector_store %arg26[%swap3A_898, %swap3A_899, %swap3A_900], %swap3A_903 {strides = array<i32>} : memref<1x4096x64xbf16, #tpu.memory_space<vmem>>, vector<1x2048x64xbf16>,
    %iota3A_904 = tpu.iota {dimensions = array<i32: 0>} : vector<32x2048xi32>
    %iota3A_905 = tpu.iota {dimensions = array<i32: 1>} : vector<32x2048xi32>
    %jit3A_906 = arith.constant 64 : i32
    %div3A_907 = vector.broadcast %jit3A_906 : i32 to vector<32x2048xi32>
    %div3A_908 = arith.divsi %iota3A_905, %div3A_907 : vector<32x2048xi32>
    %sign3A_909 = arith.constant 0 : i32
    %sign3A_910 = vector.broadcast %sign3A_909 : i32 to vector<32x2048xi32>
    %sign3A_911 = arith.cmpi sgt, %iota3A_905, %sign3A_910 : vector<32x2048xi32>
    %sign3A_912 = arith.extui %sign3A_911 : vector<32x2048xi1> to vector<32x2048xi32>
    %sign3A_913 = arith.constant 0 : i32
    %sign3A_914 = vector.broadcast %sign3A_913 : i32 to vector<32x2048xi32>
    %sign3A_915 = arith.cmpi slt, %iota3A_905, %sign3A_914 : vector<32x2048xi32>
    %sign3A_916 = arith.extui %sign3A_915 : vector<32x2048xi1> to vector<32x2048xi32>
    %sign3A_917 = arith.subi %sign3A_912, %sign3A_916 : vector<32x2048xi32>
    %sign3A_918 = arith.constant 0 : i32
    %sign3A_919 = arith.cmpi sgt, %jit3A_906, %sign3A_918 : i32
    %sign3A_920 = arith.extui %sign3A_919 : i1 to i32
    %sign3A_921 = arith.constant 0 : i32
    %sign3A_922 = arith.cmpi slt, %jit3A_906, %sign3A_921 : i32
    %sign3A_923 = arith.extui %sign3A_922 : i1 to i32
    %sign3A_924 = arith.subi %sign3A_920, %sign3A_923 : i32
    %ne3A_925 = vector.broadcast %sign3A_924 : i32 to vector<32x2048xi32>
    %ne3A_926 = arith.cmpi ne, %sign3A_917, %ne3A_925 : vector<32x2048xi32>
    %rem3A_927 = vector.broadcast %jit3A_906 : i32 to vector<32x2048xi32>
    %rem3A_928 = arith.remsi %iota3A_905, %rem3A_927 : vector<32x2048xi32>
    %ne3A_929 = arith.constant 0 : i32
    %ne3A_930 = vector.broadcast %ne3A_929 : i32 to vector<32x2048xi32>
    %ne3A_931 = arith.cmpi ne, %rem3A_928, %ne3A_930 : vector<32x2048xi32>
    %and3A_932 = arith.andi %ne3A_926, %ne3A_931 : vector<32x2048xi1>
    %sub3A_933 = arith.constant 1 : i32
    %sub3A_934 = vector.broadcast %sub3A_933 : i32 to vector<32x2048xi32>
    %sub3A_935 = arith.subi %div3A_908, %sub3A_934 : vector<32x2048xi32>
    %select_n3A_936 = arith.select %and3A_932, %sub3A_935, %div3A_908 : vector<32x2048xi1>, vector<32x2048xi32>
    %eq3A_937 = arith.cmpi eq, %iota3A_904, %select_n3A_936 : vector<32x2048xi32>
    %convert_element_type3A_938 = arith.extui %eq3A_937 : vector<32x2048xi1> to vector<32x2048xi32>
    %convert_element_type3A_939 = arith.sitofp %convert_element_type3A_938 : vector<32x2048xi32> to vector<32x2048xf32>
    %get3A_940 = arith.constant 0 : index
    %get3A_941 = arith.constant 32 : index
    %get3A_942 = arith.constant 0 : index
    %get3A_943 = vector.load %arg5[%get3A_940, %get3A_941, %get3A_942] : memref<1x64x64xf32, #tpu.memory_space<vmem>>, vector<1x32x64xf32>
    %get3A_944 = vector.shape_cast %get3A_943 : vector<1x32x64xf32> to vector<32x64xf32>
    %tile3A_945 = tpu.concatenate %get3A_944, %get3A_944, %get3A_944, %get3A_944, %get3A_944, %get3A_944, %get3A_944, %get3A_944, %get3A_944, %get3A_944, %get3A_944, %get3A_944, %get3A_944, %get3A_944, %get3A_944, %get3A_944, %get3A_944, %get3A_944, %get3A_944, %get3A_944, %get3A_944, %get3A_944, %get3A_944, %get3A_944, %get3A_944, %get3A_944, %get3A_944, %get3A_944, %get3A_944, %get3A_944, %get3A_944, %get3A_944 in 1 : vector<32x64xf32>, vector<32x64xf32>, vector<32x64xf32>, vector<32x64xf32>, vector<32x64xf32>, vector<32x64xf32>, vector<32x64xf32>, vector<32x64xf32>, vector<32x64xf32>, vector<32x64xf32>, vector<32x64xf32>, vector<32x64xf32>, vector<32x64xf32>, vector<32x64xf32>, vector<32x64xf32>, vector<32x64xf32>, vector<32x64xf32>, vector<32x64xf32>, vector<32x64xf32>, vector<32x64xf32>, vector<32x64xf32>, vector<32x64xf32>, vector<32x64xf32>, vector<32x64xf32>, vector<32x64xf32>, vector<32x64xf32>, vector<32x64xf32>, vector<32x64xf32>, vector<32x64xf32>, vector<32x64xf32>, vector<32x64xf32>, vector<32x64xf32> -> vector<32x2048xf32>
    %mul3A_946 = arith.mulf %convert_element_type3A_939, %tile3A_945 : vector<32x2048xf32>
    %convert_element_type3A_947 = arith.truncf %mul3A_946 : vector<32x2048xf32> to vector<32x2048xbf16>
    %dot_general3A_948 = arith.constant dense<0.000000e+00> : vector<32x64xf32>
    %dot_general3A_949 = tpu.matmul %convert_element_type3A_947, %convert_element_type3A_863, %dot_general3A_948 {dimension_numbers = #tpu.dot_dimension_numbers<[1], [0], [0], [1], [0, 0, 1, 1], [], []>, transpose_lhs_hint = false} : vector<32x2048xbf16>, vector<2048x64xbf16>, vector<32x64xf32> -> vector<32x64xf32>
    %convert_element_type3A_950 = arith.truncf %dot_general3A_949 : vector<32x64xf32> to vector<32x64xbf16>
    %get3A_951 = arith.constant 0 : index
    %get3A_952 = arith.constant 0 : index
    %get3A_953 = vector.load %arg17[%get3A_951, %get3A_952] : memref<64x64xf32, #tpu.memory_space<vmem>>, vector<64x64xf32>
    %convert_element_type3A_954 = arith.truncf %get3A_953 : vector<64x64xf32> to vector<64x64xbf16>
    %dot_general3A_955 = arith.constant dense<0.000000e+00> : vector<32x64xf32>
    %dot_general3A_956 = tpu.matmul %convert_element_type3A_950, %convert_element_type3A_954, %dot_general3A_955 {dimension_numbers = #tpu.dot_dimension_numbers<[1], [0], [0], [1], [0, 0, 1, 1], [], []>, transpose_lhs_hint = false} : vector<32x64xbf16>, vector<64x64xbf16>, vector<32x64xf32> -> vector<32x64xf32>
    %get3A_957 = arith.constant 0 : index
    %get3A_958 = arith.constant 0 : index
    %get3A_959 = vector.load %arg18[%get3A_957, %get3A_958] : memref<1x64xf32, #tpu.memory_space<vmem>>, vector<1x64xf32>
    %add3A_960 = vector.broadcast %get3A_959 : vector<1x64xf32> to vector<32x64xf32>
    %add3A_961 = arith.addf %dot_general3A_956, %add3A_960 : vector<32x64xf32>
    %max3A_962 = arith.constant 0.000000e+00 : f32
    %max3A_963 = vector.broadcast %max3A_962 : f32 to vector<32x64xf32>
    %max3A_964 = arith.maximumf %add3A_961, %max3A_963 : vector<32x64xf32>
    %abs3A_965 = math.absf %add3A_961 : vector<32x64xf32>
    %neg3A_966 = arith.constant 0.000000e+00 : f32
    %neg3A_967 = vector.broadcast %neg3A_966 : f32 to vector<32x64xf32>
    %neg3A_968 = arith.subf %neg3A_967, %abs3A_965 : vector<32x64xf32>
    %exp3A_969 = math.exp %neg3A_968 : vector<32x64xf32>
    %add3A_970 = arith.constant 1.000000e+00 : f32
    %add3A_971 = vector.broadcast %add3A_970 : f32 to vector<32x64xf32>
    %add3A_972 = arith.addf %add3A_971, %exp3A_969 : vector<32x64xf32>
    %log3A_973 = math.log %add3A_972 : vector<32x64xf32>
    %add3A_974 = arith.addf %max3A_964, %log3A_973 : vector<32x64xf32>
    %sub3A_975 = arith.constant 0.693147182 : f32
    %sub3A_976 = vector.broadcast %sub3A_975 : f32 to vector<32x64xf32>
    %sub3A_977 = arith.subf %add3A_974, %sub3A_976 : vector<32x64xf32>
    %convert_element_type3A_978 = arith.truncf %sub3A_977 : vector<32x64xf32> to vector<32x64xbf16>
    %get3A_979 = arith.constant 0 : index
    %get3A_980 = arith.constant 0 : index
    %get3A_981 = vector.load %arg19[%get3A_979, %get3A_980] : memref<64x64xf32, #tpu.memory_space<vmem>>, vector<64x64xf32>
    %convert_element_type3A_982 = arith.truncf %get3A_981 : vector<64x64xf32> to vector<64x64xbf16>
    %dot_general3A_983 = arith.constant dense<0.000000e+00> : vector<32x64xf32>
    %dot_general3A_984 = tpu.matmul %convert_element_type3A_978, %convert_element_type3A_982, %dot_general3A_983 {dimension_numbers = #tpu.dot_dimension_numbers<[1], [0], [0], [1], [0, 0, 1, 1], [], []>, transpose_lhs_hint = false} : vector<32x64xbf16>, vector<64x64xbf16>, vector<32x64xf32> -> vector<32x64xf32>
    %get3A_985 = arith.constant 0 : index
    %get3A_986 = arith.constant 0 : index
    %get3A_987 = vector.load %arg20[%get3A_985, %get3A_986] : memref<1x64xf32, #tpu.memory_space<vmem>>, vector<1x64xf32>
    %add3A_988 = vector.broadcast %get3A_987 : vector<1x64xf32> to vector<32x64xf32>
    %add3A_989 = arith.addf %dot_general3A_984, %add3A_988 : vector<32x64xf32>
    %swap3A_990 = arith.constant 0 : index
    %swap3A_991 = arith.constant 32 : index
    %swap3A_992 = arith.constant 0 : index
    %swap3A_993 = vector.load %arg25[%swap3A_990, %swap3A_991, %swap3A_992] : memref<1x64x64xf32, #tpu.memory_space<vmem>>, vector<1x32x64xf32>
    %swap3A_994 = vector.shape_cast %swap3A_993 : vector<1x32x64xf32> to vector<32x64xf32>
    %swap3A_995 = vector.shape_cast %add3A_989 : vector<32x64xf32> to vector<1x32x64xf32>
    tpu.vector_store %arg25[%swap3A_990, %swap3A_991, %swap3A_992], %swap3A_995 {strides = array<i32>} : memref<1x64x64xf32, #tpu.memory_space<vmem>>, vector<1x32x64xf32>,
    %convert_element_type3A_996 = arith.truncf %slice3A_896 : vector<2048x64xf32> to vector<2048x64xbf16>
    %get3A_997 = arith.constant 0 : index
    %get3A_998 = arith.constant 32 : index
    %get3A_999 = arith.constant 0 : index
    %get3A_1000 = vector.load %arg6[%get3A_997, %get3A_998, %get3A_999] : memref<1x64x64xf32, #tpu.memory_space<vmem>>, vector<1x32x64xf32>
    %get3A_1001 = vector.shape_cast %get3A_1000 : vector<1x32x64xf32> to vector<32x64xf32>
    %mul3A_1002 = arith.mulf %get3A_944, %get3A_1001 : vector<32x64xf32>
    %tile3A_1003 = tpu.concatenate %mul3A_1002, %mul3A_1002, %mul3A_1002, %mul3A_1002, %mul3A_1002, %mul3A_1002, %mul3A_1002, %mul3A_1002, %mul3A_1002, %mul3A_1002, %mul3A_1002, %mul3A_1002, %mul3A_1002, %mul3A_1002, %mul3A_1002, %mul3A_1002, %mul3A_1002, %mul3A_1002, %mul3A_1002, %mul3A_1002, %mul3A_1002, %mul3A_1002, %mul3A_1002, %mul3A_1002, %mul3A_1002, %mul3A_1002, %mul3A_1002, %mul3A_1002, %mul3A_1002, %mul3A_1002, %mul3A_1002, %mul3A_1002 in 1 : vector<32x64xf32>, vector<32x64xf32>, vector<32x64xf32>, vector<32x64xf32>, vector<32x64xf32>, vector<32x64xf32>, vector<32x64xf32>, vector<32x64xf32>, vector<32x64xf32>, vector<32x64xf32>, vector<32x64xf32>, vector<32x64xf32>, vector<32x64xf32>, vector<32x64xf32>, vector<32x64xf32>, vector<32x64xf32>, vector<32x64xf32>, vector<32x64xf32>, vector<32x64xf32>, vector<32x64xf32>, vector<32x64xf32>, vector<32x64xf32>, vector<32x64xf32>, vector<32x64xf32>, vector<32x64xf32>, vector<32x64xf32>, vector<32x64xf32>, vector<32x64xf32>, vector<32x64xf32>, vector<32x64xf32>, vector<32x64xf32>, vector<32x64xf32> -> vector<32x2048xf32>
    %mul3A_1004 = arith.mulf %convert_element_type3A_939, %tile3A_1003 : vector<32x2048xf32>
    %convert_element_type3A_1005 = arith.truncf %mul3A_1004 : vector<32x2048xf32> to vector<32x2048xbf16>
    %dot_general3A_1006 = arith.constant dense<0.000000e+00> : vector<32x64xf32>
    %dot_general3A_1007 = tpu.matmul %convert_element_type3A_1005, %convert_element_type3A_996, %dot_general3A_1006 {dimension_numbers = #tpu.dot_dimension_numbers<[1], [0], [0], [1], [0, 0, 1, 1], [], []>, transpose_lhs_hint = false} : vector<32x2048xbf16>, vector<2048x64xbf16>, vector<32x64xf32> -> vector<32x64xf32>
    %get3A_1008 = arith.constant 0 : index
    %get3A_1009 = arith.constant 32 : index
    %get3A_1010 = arith.constant 0 : index
    %get3A_1011 = vector.load %arg7[%get3A_1008, %get3A_1009, %get3A_1010] : memref<1x64x64xf32, #tpu.memory_space<vmem>>, vector<1x32x64xf32>
    %get3A_1012 = vector.shape_cast %get3A_1011 : vector<1x32x64xf32> to vector<32x64xf32>
    %mul3A_1013 = arith.mulf %get3A_944, %get3A_1012 : vector<32x64xf32>
    %tile3A_1014 = tpu.concatenate %mul3A_1013, %mul3A_1013, %mul3A_1013, %mul3A_1013, %mul3A_1013, %mul3A_1013, %mul3A_1013, %mul3A_1013, %mul3A_1013, %mul3A_1013, %mul3A_1013, %mul3A_1013, %mul3A_1013, %mul3A_1013, %mul3A_1013, %mul3A_1013, %mul3A_1013, %mul3A_1013, %mul3A_1013, %mul3A_1013, %mul3A_1013, %mul3A_1013, %mul3A_1013, %mul3A_1013, %mul3A_1013, %mul3A_1013, %mul3A_1013, %mul3A_1013, %mul3A_1013, %mul3A_1013, %mul3A_1013, %mul3A_1013 in 1 : vector<32x64xf32>, vector<32x64xf32>, vector<32x64xf32>, vector<32x64xf32>, vector<32x64xf32>, vector<32x64xf32>, vector<32x64xf32>, vector<32x64xf32>, vector<32x64xf32>, vector<32x64xf32>, vector<32x64xf32>, vector<32x64xf32>, vector<32x64xf32>, vector<32x64xf32>, vector<32x64xf32>, vector<32x64xf32>, vector<32x64xf32>, vector<32x64xf32>, vector<32x64xf32>, vector<32x64xf32>, vector<32x64xf32>, vector<32x64xf32>, vector<32x64xf32>, vector<32x64xf32>, vector<32x64xf32>, vector<32x64xf32>, vector<32x64xf32>, vector<32x64xf32>, vector<32x64xf32>, vector<32x64xf32>, vector<32x64xf32>, vector<32x64xf32> -> vector<32x2048xf32>
    %mul3A_1015 = arith.mulf %convert_element_type3A_939, %tile3A_1014 : vector<32x2048xf32>
    %convert_element_type3A_1016 = arith.truncf %mul3A_1015 : vector<32x2048xf32> to vector<32x2048xbf16>
    %dot_general3A_1017 = arith.constant dense<0.000000e+00> : vector<32x64xf32>
    %dot_general3A_1018 = tpu.matmul %convert_element_type3A_1016, %convert_element_type3A_996, %dot_general3A_1017 {dimension_numbers = #tpu.dot_dimension_numbers<[1], [0], [0], [1], [0, 0, 1, 1], [], []>, transpose_lhs_hint = false} : vector<32x2048xbf16>, vector<2048x64xbf16>, vector<32x64xf32> -> vector<32x64xf32>
    %get3A_1019 = arith.constant 0 : index
    %get3A_1020 = arith.constant 32 : index
    %get3A_1021 = arith.constant 0 : index
    %get3A_1022 = vector.load %arg8[%get3A_1019, %get3A_1020, %get3A_1021] : memref<1x64x64xf32, #tpu.memory_space<vmem>>, vector<1x32x64xf32>
    %get3A_1023 = vector.shape_cast %get3A_1022 : vector<1x32x64xf32> to vector<32x64xf32>
    %mul3A_1024 = arith.mulf %get3A_944, %get3A_1023 : vector<32x64xf32>
    %tile3A_1025 = tpu.concatenate %mul3A_1024, %mul3A_1024, %mul3A_1024, %mul3A_1024, %mul3A_1024, %mul3A_1024, %mul3A_1024, %mul3A_1024, %mul3A_1024, %mul3A_1024, %mul3A_1024, %mul3A_1024, %mul3A_1024, %mul3A_1024, %mul3A_1024, %mul3A_1024, %mul3A_1024, %mul3A_1024, %mul3A_1024, %mul3A_1024, %mul3A_1024, %mul3A_1024, %mul3A_1024, %mul3A_1024, %mul3A_1024, %mul3A_1024, %mul3A_1024, %mul3A_1024, %mul3A_1024, %mul3A_1024, %mul3A_1024, %mul3A_1024 in 1 : vector<32x64xf32>, vector<32x64xf32>, vector<32x64xf32>, vector<32x64xf32>, vector<32x64xf32>, vector<32x64xf32>, vector<32x64xf32>, vector<32x64xf32>, vector<32x64xf32>, vector<32x64xf32>, vector<32x64xf32>, vector<32x64xf32>, vector<32x64xf32>, vector<32x64xf32>, vector<32x64xf32>, vector<32x64xf32>, vector<32x64xf32>, vector<32x64xf32>, vector<32x64xf32>, vector<32x64xf32>, vector<32x64xf32>, vector<32x64xf32>, vector<32x64xf32>, vector<32x64xf32>, vector<32x64xf32>, vector<32x64xf32>, vector<32x64xf32>, vector<32x64xf32>, vector<32x64xf32>, vector<32x64xf32>, vector<32x64xf32>, vector<32x64xf32> -> vector<32x2048xf32>
    %mul3A_1026 = arith.mulf %convert_element_type3A_939, %tile3A_1025 : vector<32x2048xf32>
    %convert_element_type3A_1027 = arith.truncf %mul3A_1026 : vector<32x2048xf32> to vector<32x2048xbf16>
    %dot_general3A_1028 = arith.constant dense<0.000000e+00> : vector<32x64xf32>
    %dot_general3A_1029 = tpu.matmul %convert_element_type3A_1027, %convert_element_type3A_996, %dot_general3A_1028 {dimension_numbers = #tpu.dot_dimension_numbers<[1], [0], [0], [1], [0, 0, 1, 1], [], []>, transpose_lhs_hint = false} : vector<32x2048xbf16>, vector<2048x64xbf16>, vector<32x64xf32> -> vector<32x64xf32>
    %concatenate3A_1030 = tpu.concatenate %dot_general3A_1007, %dot_general3A_1018, %dot_general3A_1029 in 1 : vector<32x64xf32>, vector<32x64xf32>, vector<32x64xf32> -> vector<32x192xf32>
    %swap3A_1031 = arith.constant 0 : index
    %swap3A_1032 = arith.constant 32 : index
    %swap3A_1033 = arith.constant 0 : index
    %swap3A_1034 = vector.load %arg27[%swap3A_1031, %swap3A_1032, %swap3A_1033] : memref<1x64x192xf32, #tpu.memory_space<vmem>>, vector<1x32x192xf32>
    %swap3A_1035 = vector.shape_cast %swap3A_1034 : vector<1x32x192xf32> to vector<32x192xf32>
    %swap3A_1036 = vector.shape_cast %concatenate3A_1030 : vector<32x192xf32> to vector<1x32x192xf32>
    tpu.vector_store %arg27[%swap3A_1031, %swap3A_1032, %swap3A_1033], %swap3A_1036 {strides = array<i32>} : memref<1x64x192xf32, #tpu.memory_space<vmem>>, vector<1x32x192xf32>,
    return
  }
  func.func @transform_0(%arg0: i32, %arg1: i32) -> (i32, i32, i32) {
    %c0_i32 = arith.constant 0 : i32
    %c0_i32_0 = arith.constant 0 : i32
    %c0_i32_1 = arith.constant 0 : i32
    return %arg0, %c0_i32, %c0_i32_0 : i32, i32, i32
  }
  func.func @transform_1(%arg0: i32, %arg1: i32) -> (i32, i32, i32, i32) {
    %c0_i32 = arith.constant 0 : i32
    %c0_i32_0 = arith.constant 0 : i32
    %c0_i32_1 = arith.constant 0 : i32
    return %arg0, %arg1, %c0_i32, %c0_i32_0 : i32, i32, i32, i32
  }
  func.func @transform_2(%arg0: i32, %arg1: i32) -> (i32, i32, i32) {
    %c0_i32 = arith.constant 0 : i32
    %c0_i32_0 = arith.constant 0 : i32
    return %arg0, %arg1, %c0_i32 : i32, i32, i32
  }
  func.func @transform_3(%arg0: i32, %arg1: i32) -> (i32, i32, i32) {
    %c0_i32 = arith.constant 0 : i32
    %c0_i32_0 = arith.constant 0 : i32
    return %arg0, %arg1, %c0_i32 : i32, i32, i32
  }
  func.func @transform_4(%arg0: i32, %arg1: i32) -> (i32, i32, i32) {
    %c0_i32 = arith.constant 0 : i32
    %c0_i32_0 = arith.constant 0 : i32
    return %arg0, %arg1, %c0_i32 : i32, i32, i32
  }
  func.func @transform_5(%arg0: i32, %arg1: i32) -> (i32, i32, i32) {
    %c0_i32 = arith.constant 0 : i32
    %c0_i32_0 = arith.constant 0 : i32
    return %arg0, %arg1, %c0_i32 : i32, i32, i32
  }
  func.func @transform_6(%arg0: i32, %arg1: i32) -> (i32, i32, i32) {
    %c0_i32 = arith.constant 0 : i32
    %c0_i32_0 = arith.constant 0 : i32
    return %arg0, %arg1, %c0_i32 : i32, i32, i32
  }
  func.func @transform_7(%arg0: i32, %arg1: i32) -> (i32, i32, i32) {
    %c0_i32 = arith.constant 0 : i32
    %c0_i32_0 = arith.constant 0 : i32
    return %arg0, %arg1, %c0_i32 : i32, i32, i32
  }
  func.func @transform_8(%arg0: i32, %arg1: i32) -> (i32, i32) {
    %c0_i32 = arith.constant 0 : i32
    %c0_i32_0 = arith.constant 0 : i32
    return %arg0, %c0_i32 : i32, i32
  }
  func.func @transform_9(%arg0: i32, %arg1: i32) -> (i32, i32) {
    %c0_i32 = arith.constant 0 : i32
    %c0_i32_0 = arith.constant 0 : i32
    return %arg0, %c0_i32 : i32, i32
  }
  func.func @transform_10(%arg0: i32, %arg1: i32) -> (i32, i32) {
    %c0_i32 = arith.constant 0 : i32
    %c0_i32_0 = arith.constant 0 : i32
    return %arg0, %c0_i32 : i32, i32
  }
  func.func @transform_11(%arg0: i32, %arg1: i32) -> (i32, i32) {
    %c0_i32 = arith.constant 0 : i32
    %c0_i32_0 = arith.constant 0 : i32
    return %arg0, %c0_i32 : i32, i32
  }
  func.func @transform_12(%arg0: i32, %arg1: i32) -> (i32, i32) {
    %c0_i32 = arith.constant 0 : i32
    %c0_i32_0 = arith.constant 0 : i32
    return %arg0, %c0_i32 : i32, i32
  }
  func.func @transform_13(%arg0: i32, %arg1: i32) -> (i32, i32) {
    %c0_i32 = arith.constant 0 : i32
    %c0_i32_0 = arith.constant 0 : i32
    return %arg0, %c0_i32 : i32, i32
  }
  func.func @transform_14(%arg0: i32, %arg1: i32) -> (i32, i32) {
    %c0_i32 = arith.constant 0 : i32
    %c0_i32_0 = arith.constant 0 : i32
    return %arg0, %c0_i32 : i32, i32
  }
  func.func @transform_15(%arg0: i32, %arg1: i32) -> (i32, i32) {
    %c0_i32 = arith.constant 0 : i32
    %c0_i32_0 = arith.constant 0 : i32
    return %arg0, %c0_i32 : i32, i32
  }
  func.func @transform_16(%arg0: i32, %arg1: i32) -> (i32, i32) {
    %c0_i32 = arith.constant 0 : i32
    %c0_i32_0 = arith.constant 0 : i32
    return %arg0, %c0_i32 : i32, i32
  }
  func.func @transform_17(%arg0: i32, %arg1: i32) -> (i32, i32) {
    %c0_i32 = arith.constant 0 : i32
    %c0_i32_0 = arith.constant 0 : i32
    return %arg0, %c0_i32 : i32, i32
  }
  func.func @transform_18(%arg0: i32, %arg1: i32) -> (i32, i32) {
    %c0_i32 = arith.constant 0 : i32
    %c0_i32_0 = arith.constant 0 : i32
    return %arg0, %c0_i32 : i32, i32
  }
  func.func @transform_19(%arg0: i32, %arg1: i32) -> (i32, i32) {
    %c0_i32 = arith.constant 0 : i32
    %c0_i32_0 = arith.constant 0 : i32
    return %arg0, %c0_i32 : i32, i32
  }
  func.func @transform_20(%arg0: i32, %arg1: i32) -> (i32, i32) {
    %c0_i32 = arith.constant 0 : i32
    %c0_i32_0 = arith.constant 0 : i32
    return %arg0, %c0_i32 : i32, i32
  }
  func.func @transform_21(%arg0: i32, %arg1: i32) -> (i32, i32) {
    %c0_i32 = arith.constant 0 : i32
    %c0_i32_0 = arith.constant 0 : i32
    return %arg0, %c0_i32 : i32, i32
  }
  func.func @transform_22(%arg0: i32, %arg1: i32) -> (i32, i32) {
    %c0_i32 = arith.constant 0 : i32
    %c0_i32_0 = arith.constant 0 : i32
    return %arg0, %c0_i32 : i32, i32
  }
  func.func @transform_23(%arg0: i32, %arg1: i32) -> (i32, i32, i32) {
    %c0_i32 = arith.constant 0 : i32
    %c0_i32_0 = arith.constant 0 : i32
    return %arg0, %arg1, %c0_i32 : i32, i32, i32
  }
  func.func @transform_24(%arg0: i32, %arg1: i32) -> (i32, i32, i32) {
    %c0_i32 = arith.constant 0 : i32
    %c0_i32_0 = arith.constant 0 : i32
    return %arg0, %arg1, %c0_i32 : i32, i32, i32
  }
  func.func @transform_25(%arg0: i32, %arg1: i32) -> (i32, i32, i32) {
    %c0_i32 = arith.constant 0 : i32
    %c0_i32_0 = arith.constant 0 : i32
    return %arg0, %arg1, %c0_i32 : i32, i32, i32
  }
}

</mosaic_0001>

<sc_bundles>
// kernel: sparse-core-data-format-call.cloned.1.call-start
scs
called_computation_lowered:
.L_overlay_start_0:
0x0: {  	s2 =	sld [smem:$0x3FD9]  }
0x1: {  	s3 =	sld [smem:$0x3FFE];
	_ =	sdelay $0x1  }
0x2: {  	s1 =	srdreg.scid  }
0x3: {  	s0 =	sand.u32 $0x1, s1  }
0x4: {  	s15 =	sshll.u32 s0, $0xA;
	s2 =	sadd.s32 s3, s2  }
0x5: {  	s2 =	sadd.s32 s2, s15  }
0x6: {  	[smem:$0x3FAF] =	sst s2  }
0x7: {  	_ = 	snop  }
0x8: {  	s2 =	sld [smem:$0x3FD0];
	_ =	sdelay $0x2  }
0x9: {  	s16 =	simm.s32 $0xA;
	s4 =	simm.s32 $0x10  }
0xa: {  	[smem:s4], [sflag:s16] =	dma.local [hbm:s2], $0x1  }
0xb: {  	_ =	swait.eq [sflag:s16], $0x1  }
0xc: {  	[sflag:s16] =	ssyncset.done $0x0  }
0xd: {  	[sflag:s16] =	ssyncadd.s32 $0xFFFFFFFF  }
0xe: {  	s17 =	sld [smem:$0x11];
	(tm) =	ssettm $0x1  }
0xf: {  	s18 =	sld [smem:$0x3FFB];
	_ =	sdelay $0x3  }
0x10: {  	_ =	strace s18  }
0x11: {  	s3 =	sld [smem:$0x3FFC];
	_ =	sdelay $0x3  }
0x12: {  	_ =	strace s3  }
0x13: {  	s3 =	sld [smem:$0x3FFD];
	_ =	sdelay $0x3  }
0x14: {  	_ =	strace s3  }
0x15: {  	_ =	strace $0x8FFFFFFF  }
0x16: {  	s19 =	sld [smem:$0x3FDB];
	_ =	sdelay $0x1  }
0x17: {  	s20 =	simm.s32 $_scs_section_size  }
0x18: {  	s5 =	simm.s32 $_size__tile_overlayer_lowered;
	s6 =	simm.s32 $_tile_overlayer_lowered  }
0x19: {  	s23 =	simm.s32 $0x1BFF;
	s22 =	sshll.u32 s6, $0x1;
	s3 =	sadd.s32 s20, s19  }
0x1a: {  	s7 =	simm.s32 $0x0;
	s21 =	sshll.u32 s5, $0x1;
	s5 =	sadd.s32 s22, s3  }
0x1b: {  	[timem:s7], [sflag:s23] =	dma.local [hbm:s5], s21  }
0x1c: {  	_ =	swait.ge [sflag:s23], s21  }
0x1d: {  	s4 =	ssub.s32 $0x0, s21;
	[sflag:s23] =	ssyncset.done $0x0  }
0x1e: {  	[sflag:s23] =	ssyncadd.s32 s4;
	_ =	sdelay $0x1  }
0x1f: {  	s24 =	simm.s32 $0x1B8B  }
0x20: {  	_ =	swait.ge [sflag:s24], $0x1  }
0x21: {  	[sflag:s24] =	ssyncset.done $0x0  }
0x22: {  	s26 =	simm.s32 $0x1B8E;
	s25 =	sld [smem:$0x3FFE];
	[sflag:s24] =	ssyncadd.s32 $0xFFFFFFFF  }
0x23: {  	s27 =	simm.s32 $execute0_lowered;
	[smem:$0x3FD2] =	sst s26  }
0x24: {  	s5 =	sshll.u32 s27, $0x1;
	_ =	strace $0x80000046;
	[dreg:$0x1] =	wrdreg $0xFFFFFFFF  }
0x25: {  	s28 =	simm.s32 $_size_execute0_lowered;
	s3 =	sadd.s32 s3, s5;
	[dreg:$0x0] =	wrdreg $0x0  }
0x26: {  	s5 =	sshll.u32 s28, $0x1;
	[dreg:$0x2] =	wrdreg s3  }
0x27: {  	[dreg:$0x3] =	wrdreg s5  }
0x28: {  	[dreg:$0x4] =	wrdreg $0xC0  }
0x29: {  	_ =	task [dreg:s7], $0x5FFFF  }
0x2a: {  	[dreg:$0x1] =	wrdreg $0xFFFFFFFF  }
0x2b: {  	[dreg:$0x0] =	wrdreg $0x60  }
0x2c: {  	[dreg:$0x2] =	wrdreg s25  }
0x2d: {  	[dreg:$0x3] =	wrdreg s17  }
0x2e: {  	[dreg:$0x4] =	wrdreg $0x9  }
0x2f: {  	_ =	task.clear_ibuf [dreg:s7], $0x5FFFF;
	_ =	strace $0x90000046  }
0x30: {  	s29 =	simm.s32 $0x9;
	_ =	strace $0x80000048  }
0x31: {  	_ =	swait.ge [sflag:s29], $0x1  }
0x32: {  	[sflag:s29] =	ssyncadd.s32 $0xFFFFFFFF  }
0x33: {  	_ =	strace $0x90000048  }
0x34: {  	_ =	sfence  }
0x35: {  	s30 =	sld [smem:$0x0];
	_ =	sdelay $0x2  }
0x36: {  	s31 =	sshll.u32 s1, $0xD;
	s1 =	sshrl.u32 s1, $0x2  }
0x37: {  	s3 =	sand.u32 $0x4000, s31;
	s1 =	sadd.s32 s1, s30  }
0x38: {  	s0 =	sor.u32 s3, s0;
	s1 =	sshll.u32 s1, $0x11  }
0x39: {  	s0 =	sor.u32 s1, s0  }
0x3a: {  	s0 =	sadd.s32 $0x8F2B, s0  }
0x3b: {  	[sflag:s0] =	ssyncadd.remote.s32 $0x1  }
0x3c: {  	_ =	sfence.sel $0xFFFF  }
0x3d: {  	[dreg:$0x0] =	wrdreg $0xFFFFFFFF;
	(pc) =	sbr.abs _section_cstart, $3  }
0x3e: {  	[dreg:$0x1] =	wrdreg $0xFFFFFFFF  }
0x3f: {  	_ =	task.clear_ibuf [dreg:s7], $0x2FFFF;
	_ =	strace $0x9FFFFFFF  }
0x40: {  	(tm) =	ssettm $0x7FFFFFFF  }
0x41: {  	_ =	shalt  }
tec
execute0_lowered:
.L_overlay_start_1:
0x0: {  	(tag) =	ssettag $0x1  }
0x1: {  	s0 =	stileid.u32;
	s7 =	rddreg [dreg:$0x0]  }
0x2: {  	s2 =	rddreg [dreg:$0x1];
	s5 =	srdreg.scid;
	s31 =	simm.s32 $0x2  }
0x3: {  	s17 =	simm.s32 $0x0;
	s10 =	simm.s32 $0x1000;
	s1 =	sshll.u32 s0, $0x6  }
0x4: {  	s16 =	simm.s32 $0x0;
	s18 =	simm.s32 $0x0;
	s1 =	sand.u32 $0x180, s1  }
0x5: {  	s19 =	simm.s32 $0x0;
	s3 =	sand.u32 $0x1, s0;
	s4 =	ssub.s32 $0x200, s1  }
0x6: {  	s13 =	simm.s32 $0x0;
	s6 =	ssub.s32 $0x2, s3;
	s8 =	sand.u32 $0x180, s4  }
0x7: {  	s9 =	sshrl.u32 s6, $0x1;
	p0 =	sne.s32 s8, $0x0;
	s8 =	simm.s32 $0x1  }
0x8: {  	s6 =	sand.u32 $0x1, s6;
	s4 =	sshrl.u32 s4, $0x9;
	s8 =	simm.s32 @!p0 $0x0  }
0x9: {  	s15 =	simm.s32 $0x0;
	s6 =	sadd.s32 s6, s9;
	s8 =	sadd.s32 s8, s4  }
0xa: {  	s5 =	sshll.u32 s5, $0x4;
	s7 =	sadd.s32 $0x6600, s7;
	s6 =	smul.u32 s8, s6  }
.Ltmp0:
0xb: {  	s5 =	sand.u32 $0x10, s5;
	s14 =	smov.u32 s3;
	(pc) =	sbr.rel .LBB1_1-.Ltmp0, $4  }
0xc: {  	s30 =	sor.u32 s0, s5;
	s5 =	simm.s32 $0x1;
	s12 =	smov.u32 s1  }
0xd: {  	s4 =	rddreg [dreg:$0x2];
	_ =	strace $0x80000047;
	s6 =	smul.u32 $0x30, s6  }
0xe: {  	p0 =	por $0x0, $0x0;
	[sflag:s5] =	ssyncpa.u1 $0x0;
	s8 =	sshrl.u32 s30, $0x3  }
0xf: {  	[sflag:s31] =	ssyncpa.u1 $0x0;
	s11 =	smov.u32 s8;
	s9 =	sor.u32 $0x1, s6  }
.LBB1_4:
0x10: {  	s19 =	smul.u32 $0xC0000, s19;
	_ =	sdelay $0x1  }
0x11: {  	s18 =	sshll.u32 s18, $0xC;
	s19 =	sadd.s32 s2, s19  }
0x12: {  	s22 =	sand.u32 $0xF80, s16;
	s17 =	smul.u32 $0x3000, s17;
	s18 =	sadd.s32 s18, s19  }
0x13: {  	[tilespmem:s21+$0x810 ss:$0x81] =	vst.msk $0xffff, v2;
	s30 =	sshrl.u32 s16, $0x3;
	s31 =	sand.u32 $0x7, s16;
	s18 =	sadd.s32 s22, s18  }
0x14: {  	[tilespmem:s21+$0x1020 ss:$0x81] =	vst.msk $0xffff, v0;
	s16 =	sshll.u32 s31, $0x12;
	s19 =	sand.u32 $0xF, s30;
	s17 =	sadd.s32 s17, s18  }
0x15: {  	[tilespmem:s21+$0x0 ss:$0x81] =	vst.msk $0xffff, v1;
	s16 =	sor.u32 $0x400, s16;
	s17 =	sadd.s32 s19, s17  }
0x16: {  	[hbm4b:s17+s16] =	stream.strided.scatter [tilespmem:s20], [sflag:$0x2], $0x2000, s10, s16, $0x20;
	[tilespmem:$0x8080] =	vst v63  }
.LBB1_5:
0x17: {  	s20 =	sadd.s32 $0x4, s11  }
0x18: {  	s16 =	sadd.s32 $0x200, s12;
	s21 =	smov.u32 s12;
	p2 =	sgt.s32 s20, $0x3F  }
0x19: {  	s21 =	smov.u32 @p2 s16  }
0x1a: {  	s16 =	simm.s32 $0x1;
	p3 =	sgt.s32 s21, $0x1FF  }
0x1b: {  	s16 =	simm.s32 @!p3 $0x0  }
0x1c: {  	s22 =	sadd.s32 s16, s13  }
0x1d: {  	s23 =	smov.u32 s14;
	s16 =	sadd.s32 $0x2, s14;
	p4 =	sgt.s32 s22, $0x2  }
0x1e: {  	p1 =	slt.u32 s15, $0x2;
	s23 =	smov.u32 @p4 s16  }
0x1f: {  	s17 =	smov.u32 s11;
	s20 =	smov.u32 @p2 s8;
	p2 =	sgt.s32 s23, $0x1  }
0x20: {  	s24 =	simm.s32 @!p1 $0x2;
	s23 =	smov.u32 @p2 s3;
	p2 =	sne.s32 s15, s9  }
.Ltmp1:
0x21: {  	s18 =	smov.u32 s13;
	_ =	swait.ge @!p1 [sflag:s24], $0x2000;
	(pc) =	sbr.rel @!p2 .LBB1_6-.Ltmp1, $4  }
0x22: {  	s19 =	smov.u32 s14;
	p0 =	por !p0, !p0;
	[sflag:s24] =	ssyncset.done @!p1 $0x0  }
0x23: {  	s11 =	smov.u32 s20;
	s21 =	smov.u32 @p3 s1;
	[sflag:s24] =	ssyncadd.s32 @!p1 $0xFFFFE000  }
0x24: {  	s22 =	simm.s32 @p4 $0x0;
	s16 =	smov.u32 s12;
	s12 =	smov.u32 s21  }
0x25: {  	s13 =	smov.u32 s22;
	s15 =	sadd.s32 $0x1, s15;
	s14 =	smov.u32 s23  }
.LBB1_1:
0x26: {  	p1 =	sge.u32 s15, s6  }
0x27: {  	s20 =	smul.u32 @!p1 $0x180000, s14  }
0x28: {  	s31 =	sadd.s32 $0xFFFFFFFF, s15;
	s21 =	sxor.u32 @!p1 $0xFFFFFFFF, s15  }
0x29: {  	s22 =	sshll.u32 @!p1 s13, $0x13;
	s23 =	sshll.u32 @!p1 s12, $0xA;
	s20 =	sadd.s32 @!p1 s7, s20  }
0x2a: {  	s24 =	sshll.u32 @!p1 s11, $0x4;
	s21 =	sshll.u32 @!p1 s21, $0xD;
	s20 =	sadd.s32 @!p1 s22, s20  }
0x2b: {  	s21 =	sand.u32 @!p1 $0x2000, s21;
	s22 =	sand.u32 @!p1 $0x3F0, s24;
	s20 =	sadd.s32 @!p1 s23, s20  }
0x2c: {  	s23 =	simm.s32 @!p1 $0x2000;
	s20 =	sadd.s32 @!p1 s22, s20;
	s22 =	simm.s32 @!p1 $0x40  }
0x2d: {  	[tilespmem:s21], [sflag:$0x1] =	stream.strided.gather @!p1 [hbm4b:s20+s22], $0x2000, s23, s22, $0x38;
	[tilespmem:$0x8080] =	vst v63  }
0x2e: {  	p1 =	sge.u32 s31, s6  }
.Ltmp2:
0x2f: {  	_ = 	snop;
	(pc) =	sbr.rel @p1 .LBB1_5-.Ltmp2, $1  }
0x30: {  	_ =	sdelay $0x3  }
0x31: {  	s20 =	simm.s32 $0x1  }
0x32: {  	_ =	swait.ge [sflag:s5], $0x2000;
	s20 =	simm.s32 @!p0 $0x0  }
0x33: {  	[sflag:s5] =	ssyncset.done $0x0;
	s21 =	sshll.u32 s20, $0xD  }
0x34: {  	[sflag:s5] =	ssyncadd.s32 $0xFFFFE000;
	s24 =	sor.u32 $0x20, s21  }
0x35: {  	s20 =	smul.u32 $0x8100, s20;
	v3 =	vld [tilespmem:s24+$0x10]  }
0x36: {  	s30 =	sand.u32 $0x1, s15;
	v2 =	vld [tilespmem:s24+$0xFFFFFFF0]  }
0x37: {  	s21 =	smul.u32 $0x8100, s30;
	s20 =	sshrl.u32 s20, $0x2;
	v0 =	vld [tilespmem:s24+$0x0]  }
0x38: {  	v1 =	vld [tilespmem:s24+$0xFFFFFFE0];
	s22 =	sor.u32 $0x4000, s20  }
0x39: {  	s31 =	sshrl.u32 s21, $0x2;
	s21 =	sadd.s32 $0x0, s22  }
0x3a: {  	s23 =	simm.s32 $0x4;
	s24 =	sadd.s32 $0x40, s24;
	s20 =	sor.u32 $0x4000, s31;
	[tilespmem:s21+$0x1830 ss:$0x81] =	vst.msk $0xffff, v3  }
.LBB1_3:
0x3b: {  	v3 =	vld [tilespmem:s24+$0x10];
	p1 =	sne.s32 s23, $0x1FC;
	[tilespmem:s21+$0x810 ss:$0x81] =	vst.msk $0xffff, v2;
	s25 =	smov.u32 s23;
	s23 =	sadd.s32 $0x4, s23  }
.Ltmp3:
0x3c: {  	v2 =	vld [tilespmem:s24+$0xFFFFFFF0];
	[tilespmem:s21+$0x1020 ss:$0x81] =	vst.msk $0xffff, v0;
	(pc) =	sbr.rel @p1 .LBB1_3-.Ltmp3, $4  }
0x3d: {  	v0 =	vld [tilespmem:s24+$0x0];
	[tilespmem:s21+$0x0 ss:$0x81] =	vst.msk $0xffff, v1  }
0x3e: {  	s21 =	sshra.s32 s25, $0x2;
	v1 =	vld [tilespmem:s24+$0xFFFFFFE0]  }
0x3f: {  	s21 =	sadd.s32 s21, s22  }
0x40: {  	s24 =	sadd.s32 $0x40, s24;
	[tilespmem:s21+$0x1830 ss:$0x81] =	vst.msk $0xffff, v3  }
.Ltmp4:
0x41: {  	_ = 	snop;
	(pc) =	sbr.rel .LBB1_4-.Ltmp4, $1  }
0x42: {  	_ =	sdelay $0x3  }
.LBB1_6:
0x43: {  	_ =	sfence.sel $0x180000  }
0x44: {  	s1 =	simm.s32 $0x1;
	[bflag:$0x0] =	sbarrier.arrive $0xFFFF  }
0x45: {  	s31 =	simm.s32 $0x2;
	[sflag:s1] =	ssyncpa.u1 $0x1  }
0x46: {  	[sflag:s31] =	ssyncpa.u1 $0x1  }
0x47: {  	p0 =	sne.s32 s0, $0x0;
	_ =	strace $0x90000047  }
0x48: {  	s0 =	sadd.s32 @!p0 $0x100000, s4;
	[bflag:$0x2] =	sbarrier.arrive $0xFFFF  }
0x49: {  	[sflag:s0] =	ssyncadd.tile.s32 @!p0 $0x1;
	_ =	shalt  }
.Lfunc_end1:
_tile_overlayer_lowered:
.L_overlay_start_2:
0x4a: {  	(tag) =	ssettag $0x2  }
0x4b: {  	s0 =	rddreg [dreg:$0x0];
	s2 =	stileid.u32  }
0x4c: {  	s1 =	rddreg [dreg:$0x1];
	p0 =	sne.s32 s2, $0x0  }
0x4d: {  	s3 =	rddreg [dreg:$0x2];
	[bflag:$0x3] =	sbarrier.arrive $0xFFFF;
	s2 =	simm.s32 @!p0 $0x1C01  }
0x4e: {  	[timem:s3], [sflag:s2] =	dma.local @!p0 [hbm:s0], s1  }
0x4f: {  	s0 =	simm.s32 @!p0 $0x1  }
0x50: {  	_ =	swait.ge @!p0 [sflag:s0], s1  }
0x51: {  	s1 =	ssub.s32 @!p0 $0x0, s1;
	[sflag:s0] =	ssyncset.done @!p0 $0x0  }
0x52: {  	[sflag:s0] =	ssyncadd.s32 @!p0 s1  }
0x53: {  	[bflag:$0x3] =	sbarrier.arrive $0xFFFF  }
0x54: {  	_ =	shalt  }

</sc_bundles>
